<compile_context>
chip_gen: v7x
topology: tpu7x:2x2x1
jax: 0.10.2.dev20260603
libtpu: 0.0.44.dev20260713+nightly
codegen_flags: <defaults>
</compile_context>

<pallas_src>
import functools

import jax
import jax.numpy as jnp
from jax import lax
from jax.experimental import pallas as pl
from jax.experimental.pallas import tpu as pltpu
from jax.experimental.pallas import tpu_sc as plsc

_B = 16384
_STORE_VOCAB = 2
_LOC_VOCAB = 3
_NCOMBO = _STORE_VOCAB * _LOC_VOCAB

_NC, _NS, _L = 2, 16, 16
_NW = _NC * _NS
_BPW = _B // _NW


def _table_body(se, le, w1, b1, w2, b2, out):
    xs = jnp.repeat(se[...], _LOC_VOCAB, axis=0)
    xl = jnp.tile(le[...], (_STORE_VOCAB, 1))
    x = jnp.concatenate([xs, xl], axis=1)
    h = jnp.maximum(
        jnp.dot(x, w1[...], preferred_element_type=jnp.float32) + b1[...], 0.0)
    o = jnp.maximum(
        jnp.dot(h, w2[...], preferred_element_type=jnp.float32) + b2[...], 0.0)
    o16 = jnp.broadcast_to(o, (_NCOMBO, _L))
    out[...] = jnp.concatenate(
        [o16, jnp.zeros((8 - _NCOMBO, _L), jnp.float32)], axis=0)


_table_call = pl.pallas_call(
    _table_body,
    out_shape=jax.ShapeDtypeStruct((8, _L), jnp.float32),
)


def _lookup_body(table_hbm, store_hbm, loc_hbm, out_hbm,
                 table_v, store_v, loc_v, out_v, sem):
    wid = lax.axis_index("s") * _NC + lax.axis_index("c")
    base = wid * _BPW
    cp_t = pltpu.async_copy(table_hbm, table_v, sem)
    cp_s = pltpu.async_copy(store_hbm.at[pl.ds(base, _BPW)], store_v, sem)
    cp_l = pltpu.async_copy(loc_hbm.at[pl.ds(base, _BPW)], loc_v, sem)
    cp_t.wait()
    cp_s.wait()
    cp_l.wait()
    t = [table_v[k] for k in range(_NCOMBO)]
    half = _BPW // 2

    def _groups(lo, hi):
        for i in range(lo, hi):
            s = store_v[pl.ds(i * _L, _L)]
            l = loc_v[pl.ds(i * _L, _L)]
            l0 = l == 0
            l1 = l == 1
            a = jnp.where(l0, t[0], jnp.where(l1, t[1], t[2]))
            b = jnp.where(l0, t[3], jnp.where(l1, t[4], t[5]))
            out_v[pl.ds(i * _L, _L)] = jnp.where(s == 0, a, b)

    _groups(0, half // _L)
    cp_o0 = pltpu.async_copy(out_v.at[pl.ds(0, half)],
                             out_hbm.at[pl.ds(base, half)], sem)
    _groups(half // _L, _BPW // _L)
    cp_o1 = pltpu.async_copy(out_v.at[pl.ds(half, half)],
                             out_hbm.at[pl.ds(base + half, half)], sem)
    cp_o0.wait()
    cp_o1.wait()


@functools.lru_cache(maxsize=1)
def _lookup_call():
    return pl.kernel(
        _lookup_body,
        mesh=plsc.VectorSubcoreMesh(core_axis_name="c", subcore_axis_name="s"),
        out_type=jax.ShapeDtypeStruct((_B,), jnp.float32),
        scratch_types=[
            pltpu.VMEM((8, _L), jnp.float32),
            pltpu.VMEM((_BPW,), jnp.int32),
            pltpu.VMEM((_BPW,), jnp.int32),
            pltpu.VMEM((_BPW,), jnp.float32),
            pltpu.SemaphoreType.DMA,
        ],
    )


def kernel(store, loc, store_emb, loc_emb, W1, b1, W2, b2):
    table = _table_call(store_emb, loc_emb, W1,
                        b1.reshape(1, -1), W2, b2.reshape(1, -1))
    out = _lookup_call()(table,
                         store.astype(jnp.int32), loc.astype(jnp.int32))
    return out.reshape(_B, 1)

# --- scband reference (transcript-rebuilt; emitter-appended) ---
"""Pipeline reference for scband-my-model-87522843560185 (READ-ONLY COPY).

The authoritative reference and input builder live on the scoring server;
editing this copy changes nothing except your own understanding.
"""

import jax, jax.numpy as jnp
import numpy as np

B = 16384
STORE_VOCAB = 2
LOC_VOCAB = 3
STORE_DIM = 64
LOC_DIM = 32
H1 = 32
H2 = 1


def setup_inputs(seed: int = 0) -> dict:
    key = jax.random.key(seed)
    ks = jax.random.split(key, 8)
    store = jax.random.randint(ks[0], (B,), 0, STORE_VOCAB)
    loc = jax.random.randint(ks[1], (B,), 0, LOC_VOCAB)
    store_emb = jax.random.normal(ks[2], (STORE_VOCAB, STORE_DIM), dtype=jnp.float32) * 0.05
    loc_emb = jax.random.normal(ks[3], (LOC_VOCAB, LOC_DIM), dtype=jnp.float32) * 0.05
    W1 = jax.random.normal(ks[4], (STORE_DIM + LOC_DIM, H1), dtype=jnp.float32) / jnp.sqrt(STORE_DIM + LOC_DIM)
    b1 = jnp.zeros((H1,), dtype=jnp.float32)
    W2 = jax.random.normal(ks[5], (H1, H2), dtype=jnp.float32) / jnp.sqrt(H1)
    b2 = jnp.zeros((H2,), dtype=jnp.float32)
    return {"store": store, "loc": loc, "store_emb": store_emb, "loc_emb": loc_emb,
            "W1": W1, "b1": b1, "W2": W2, "b2": b2}


def reference(store, loc, store_emb, loc_emb, W1, b1, W2, b2):
    # DenseFeatures: embedding lookup per categorical column, then concat.
    # (String vocab lookup 'a'/'b' and 'x'/'y'/'z' is replaced by integer ids.)
    e_store = jnp.take(store_emb, store, axis=0)   # [B, 64]
    e_loc = jnp.take(loc_emb, loc, axis=0)         # [B, 32]
    x = jnp.concatenate([e_store, e_loc], axis=-1) # [B, 96]
    h = jax.nn.relu(x @ W1 + b1)                   # Dense(32, relu)
    out = jax.nn.relu(h @ W2 + b2)                 # Dense(1, relu)
    return out

if __name__ == "__main__":
    import jax
    _d = setup_inputs()
    print(jax.jit(kernel)(*tuple(_d.values())))

</pallas_src>

<mosaic_0001>
#map = affine_map<(d0, d1) -> (0, 0)>
#map1 = affine_map<(d0, d1) -> (0)>
module attributes {stable_mosaic.version = 14 : i64} {
  func.func @_lookup_body(%arg0: i32, %arg1: i32, %arg2: memref<8x16xf32, #tpu.memory_space<hbm>>, %arg3: memref<16384xi32, #tpu.memory_space<hbm>>, %arg4: memref<16384xi32, #tpu.memory_space<hbm>>, %arg5: memref<16384xf32, #tpu.memory_space<hbm>>, %arg6: memref<8x16xf32, #tpu.memory_space<vmem>>, %arg7: memref<512xi32, #tpu.memory_space<vmem>>, %arg8: memref<512xi32, #tpu.memory_space<vmem>>, %arg9: memref<512xf32, #tpu.memory_space<vmem>>, %arg10: memref<!tpu.dma_semaphore, #tpu.memory_space<semaphore_mem>>) attributes {dimension_semantics = [#tpu.dimension_semantics<core_parallel>, #tpu.dimension_semantics<subcore_parallel>], iteration_bounds = array<i64: 2, 16>, scalar_prefetch = 0 : i64, scratch_operands = 5 : i64, tpu.core_type = #tpu.core_type<sc_vector_subcore>, window_params = [{transform_indices = #map}, {transform_indices = #map1}, {transform_indices = #map1}, {transform_indices = #map1}]} {
    %mul3A = arith.constant 2 : i32
    %mul3A_0 = arith.muli %arg1, %mul3A : i32
    %add3A = arith.addi %mul3A_0, %arg0 : i32
    %mul3A_1 = arith.constant 512 : i32
    %mul3A_2 = arith.muli %add3A, %mul3A_1 : i32
    tpu.enqueue_dma source(%arg2 : memref<8x16xf32, #tpu.memory_space<hbm>>) target(%arg6 : memref<8x16xf32, #tpu.memory_space<vmem>>) target_semaphore(%arg10 : memref<!tpu.dma_semaphore, #tpu.memory_space<semaphore_mem>>)
    %dma_start3A = tpu.memref_slice %arg3[%mul3A_2] : memref<16384xi32, #tpu.memory_space<hbm>> -> memref<512xi32, #tpu.memory_space<hbm>>
    %dma_start3A_3 = tpu.memref_slice %arg3[%mul3A_2] : memref<16384xi32, #tpu.memory_space<hbm>> -> memref<512xi32, #tpu.memory_space<hbm>>
    tpu.enqueue_dma source(%dma_start3A_3 : memref<512xi32, #tpu.memory_space<hbm>>) target(%arg7 : memref<512xi32, #tpu.memory_space<vmem>>) target_semaphore(%arg10 : memref<!tpu.dma_semaphore, #tpu.memory_space<semaphore_mem>>)
    %dma_start3A_4 = tpu.memref_slice %arg4[%mul3A_2] : memref<16384xi32, #tpu.memory_space<hbm>> -> memref<512xi32, #tpu.memory_space<hbm>>
    %dma_start3A_5 = tpu.memref_slice %arg4[%mul3A_2] : memref<16384xi32, #tpu.memory_space<hbm>> -> memref<512xi32, #tpu.memory_space<hbm>>
    tpu.enqueue_dma source(%dma_start3A_5 : memref<512xi32, #tpu.memory_space<hbm>>) target(%arg8 : memref<512xi32, #tpu.memory_space<vmem>>) target_semaphore(%arg10 : memref<!tpu.dma_semaphore, #tpu.memory_space<semaphore_mem>>)
    tpu.wait_dma2 semaphore(%arg10 : memref<!tpu.dma_semaphore, #tpu.memory_space<semaphore_mem>>) src(%arg2 : memref<8x16xf32, #tpu.memory_space<hbm>>) dst(%arg6 : memref<8x16xf32, #tpu.memory_space<vmem>>)
    %dma_wait3A = tpu.memref_slice %arg3[%mul3A_2] : memref<16384xi32, #tpu.memory_space<hbm>> -> memref<512xi32, #tpu.memory_space<hbm>>
    %dma_wait3A_6 = tpu.memref_slice %arg3[%mul3A_2] : memref<16384xi32, #tpu.memory_space<hbm>> -> memref<512xi32, #tpu.memory_space<hbm>>
    tpu.wait_dma2 semaphore(%arg10 : memref<!tpu.dma_semaphore, #tpu.memory_space<semaphore_mem>>) src(%dma_wait3A_6 : memref<512xi32, #tpu.memory_space<hbm>>) dst(%arg7 : memref<512xi32, #tpu.memory_space<vmem>>)
    %dma_wait3A_7 = tpu.memref_slice %arg4[%mul3A_2] : memref<16384xi32, #tpu.memory_space<hbm>> -> memref<512xi32, #tpu.memory_space<hbm>>
    %dma_wait3A_8 = tpu.memref_slice %arg4[%mul3A_2] : memref<16384xi32, #tpu.memory_space<hbm>> -> memref<512xi32, #tpu.memory_space<hbm>>
    tpu.wait_dma2 semaphore(%arg10 : memref<!tpu.dma_semaphore, #tpu.memory_space<semaphore_mem>>) src(%dma_wait3A_8 : memref<512xi32, #tpu.memory_space<hbm>>) dst(%arg8 : memref<512xi32, #tpu.memory_space<vmem>>)
    %get3A = arith.constant 0 : i32
    %get3A_9 = arith.index_cast %get3A : i32 to index
    %get3A_10 = arith.constant 0 : index
    %get3A_11 = tpu.vector_load %arg6[%get3A_9, %get3A_10] {strides = array<i32>} : memref<8x16xf32, #tpu.memory_space<vmem>>, vector<1x16xf32>,
    %get3A_12 = vector.shape_cast %get3A_11 : vector<1x16xf32> to vector<16xf32>
    %get3A_13 = arith.constant 1 : i32
    %get3A_14 = arith.index_cast %get3A_13 : i32 to index
    %get3A_15 = arith.constant 0 : index
    %get3A_16 = tpu.vector_load %arg6[%get3A_14, %get3A_15] {strides = array<i32>} : memref<8x16xf32, #tpu.memory_space<vmem>>, vector<1x16xf32>,
    %get3A_17 = vector.shape_cast %get3A_16 : vector<1x16xf32> to vector<16xf32>
    %get3A_18 = arith.constant 2 : i32
    %get3A_19 = arith.index_cast %get3A_18 : i32 to index
    %get3A_20 = arith.constant 0 : index
    %get3A_21 = tpu.vector_load %arg6[%get3A_19, %get3A_20] {strides = array<i32>} : memref<8x16xf32, #tpu.memory_space<vmem>>, vector<1x16xf32>,
    %get3A_22 = vector.shape_cast %get3A_21 : vector<1x16xf32> to vector<16xf32>
    %get3A_23 = arith.constant 3 : i32
    %get3A_24 = arith.index_cast %get3A_23 : i32 to index
    %get3A_25 = arith.constant 0 : index
    %get3A_26 = tpu.vector_load %arg6[%get3A_24, %get3A_25] {strides = array<i32>} : memref<8x16xf32, #tpu.memory_space<vmem>>, vector<1x16xf32>,
    %get3A_27 = vector.shape_cast %get3A_26 : vector<1x16xf32> to vector<16xf32>
    %get3A_28 = arith.constant 4 : i32
    %get3A_29 = arith.index_cast %get3A_28 : i32 to index
    %get3A_30 = arith.constant 0 : index
    %get3A_31 = tpu.vector_load %arg6[%get3A_29, %get3A_30] {strides = array<i32>} : memref<8x16xf32, #tpu.memory_space<vmem>>, vector<1x16xf32>,
    %get3A_32 = vector.shape_cast %get3A_31 : vector<1x16xf32> to vector<16xf32>
    %get3A_33 = arith.constant 5 : i32
    %get3A_34 = arith.index_cast %get3A_33 : i32 to index
    %get3A_35 = arith.constant 0 : index
    %get3A_36 = tpu.vector_load %arg6[%get3A_34, %get3A_35] {strides = array<i32>} : memref<8x16xf32, #tpu.memory_space<vmem>>, vector<1x16xf32>,
    %get3A_37 = vector.shape_cast %get3A_36 : vector<1x16xf32> to vector<16xf32>
    %get3A_38 = arith.constant 0 : index
    %get3A_39 = tpu.vector_load %arg7[%get3A_38] {strides = array<i32>} : memref<512xi32, #tpu.memory_space<vmem>>, vector<16xi32>,
    %get3A_40 = vector.shape_cast %get3A_39 : vector<16xi32> to vector<16xi32>
    %get3A_41 = arith.constant 0 : index
    %get3A_42 = tpu.vector_load %arg8[%get3A_41] {strides = array<i32>} : memref<512xi32, #tpu.memory_space<vmem>>, vector<16xi32>,
    %get3A_43 = vector.shape_cast %get3A_42 : vector<16xi32> to vector<16xi32>
    %eq3A = arith.constant 0 : i32
    %eq3A_44 = vector.broadcast %eq3A : i32 to vector<16xi32>
    %eq3A_45 = arith.cmpi eq, %get3A_43, %eq3A_44 : vector<16xi32>
    %eq3A_46 = arith.constant 1 : i32
    %eq3A_47 = vector.broadcast %eq3A_46 : i32 to vector<16xi32>
    %eq3A_48 = arith.cmpi eq, %get3A_43, %eq3A_47 : vector<16xi32>
    %select_n3A = arith.select %eq3A_48, %get3A_17, %get3A_22 : vector<16xi1>, vector<16xf32>
    %select_n3A_49 = arith.select %eq3A_45, %get3A_12, %select_n3A : vector<16xi1>, vector<16xf32>
    %select_n3A_50 = arith.select %eq3A_48, %get3A_32, %get3A_37 : vector<16xi1>, vector<16xf32>
    %select_n3A_51 = arith.select %eq3A_45, %get3A_27, %select_n3A_50 : vector<16xi1>, vector<16xf32>
    %eq3A_52 = arith.constant 0 : i32
    %eq3A_53 = vector.broadcast %eq3A_52 : i32 to vector<16xi32>
    %eq3A_54 = arith.cmpi eq, %get3A_40, %eq3A_53 : vector<16xi32>
    %select_n3A_55 = arith.select %eq3A_54, %select_n3A_49, %select_n3A_51 : vector<16xi1>, vector<16xf32>
    %swap3A = arith.constant 0 : index
    %swap3A_56 = tpu.vector_load %arg9[%swap3A] {strides = array<i32>} : memref<512xf32, #tpu.memory_space<vmem>>, vector<16xf32>,
    %swap3A_57 = vector.shape_cast %swap3A_56 : vector<16xf32> to vector<16xf32>
    %swap3A_58 = vector.shape_cast %select_n3A_55 : vector<16xf32> to vector<16xf32>
    tpu.vector_store %arg9[%swap3A], %swap3A_58 {strides = array<i32>} : memref<512xf32, #tpu.memory_space<vmem>>, vector<16xf32>,
    %get3A_59 = arith.constant 16 : index
    %get3A_60 = tpu.vector_load %arg7[%get3A_59] {strides = array<i32>} : memref<512xi32, #tpu.memory_space<vmem>>, vector<16xi32>,
    %get3A_61 = vector.shape_cast %get3A_60 : vector<16xi32> to vector<16xi32>
    %get3A_62 = arith.constant 16 : index
    %get3A_63 = tpu.vector_load %arg8[%get3A_62] {strides = array<i32>} : memref<512xi32, #tpu.memory_space<vmem>>, vector<16xi32>,
    %get3A_64 = vector.shape_cast %get3A_63 : vector<16xi32> to vector<16xi32>
    %eq3A_65 = arith.constant 0 : i32
    %eq3A_66 = vector.broadcast %eq3A_65 : i32 to vector<16xi32>
    %eq3A_67 = arith.cmpi eq, %get3A_64, %eq3A_66 : vector<16xi32>
    %eq3A_68 = arith.constant 1 : i32
    %eq3A_69 = vector.broadcast %eq3A_68 : i32 to vector<16xi32>
    %eq3A_70 = arith.cmpi eq, %get3A_64, %eq3A_69 : vector<16xi32>
    %select_n3A_71 = arith.select %eq3A_70, %get3A_17, %get3A_22 : vector<16xi1>, vector<16xf32>
    %select_n3A_72 = arith.select %eq3A_67, %get3A_12, %select_n3A_71 : vector<16xi1>, vector<16xf32>
    %select_n3A_73 = arith.select %eq3A_70, %get3A_32, %get3A_37 : vector<16xi1>, vector<16xf32>
    %select_n3A_74 = arith.select %eq3A_67, %get3A_27, %select_n3A_73 : vector<16xi1>, vector<16xf32>
    %eq3A_75 = arith.constant 0 : i32
    %eq3A_76 = vector.broadcast %eq3A_75 : i32 to vector<16xi32>
    %eq3A_77 = arith.cmpi eq, %get3A_61, %eq3A_76 : vector<16xi32>
    %select_n3A_78 = arith.select %eq3A_77, %select_n3A_72, %select_n3A_74 : vector<16xi1>, vector<16xf32>
    %swap3A_79 = arith.constant 16 : index
    %swap3A_80 = tpu.vector_load %arg9[%swap3A_79] {strides = array<i32>} : memref<512xf32, #tpu.memory_space<vmem>>, vector<16xf32>,
    %swap3A_81 = vector.shape_cast %swap3A_80 : vector<16xf32> to vector<16xf32>
    %swap3A_82 = vector.shape_cast %select_n3A_78 : vector<16xf32> to vector<16xf32>
    tpu.vector_store %arg9[%swap3A_79], %swap3A_82 {strides = array<i32>} : memref<512xf32, #tpu.memory_space<vmem>>, vector<16xf32>,
    %get3A_83 = arith.constant 32 : index
    %get3A_84 = tpu.vector_load %arg7[%get3A_83] {strides = array<i32>} : memref<512xi32, #tpu.memory_space<vmem>>, vector<16xi32>,
    %get3A_85 = vector.shape_cast %get3A_84 : vector<16xi32> to vector<16xi32>
    %get3A_86 = arith.constant 32 : index
    %get3A_87 = tpu.vector_load %arg8[%get3A_86] {strides = array<i32>} : memref<512xi32, #tpu.memory_space<vmem>>, vector<16xi32>,
    %get3A_88 = vector.shape_cast %get3A_87 : vector<16xi32> to vector<16xi32>
    %eq3A_89 = arith.constant 0 : i32
    %eq3A_90 = vector.broadcast %eq3A_89 : i32 to vector<16xi32>
    %eq3A_91 = arith.cmpi eq, %get3A_88, %eq3A_90 : vector<16xi32>
    %eq3A_92 = arith.constant 1 : i32
    %eq3A_93 = vector.broadcast %eq3A_92 : i32 to vector<16xi32>
    %eq3A_94 = arith.cmpi eq, %get3A_88, %eq3A_93 : vector<16xi32>
    %select_n3A_95 = arith.select %eq3A_94, %get3A_17, %get3A_22 : vector<16xi1>, vector<16xf32>
    %select_n3A_96 = arith.select %eq3A_91, %get3A_12, %select_n3A_95 : vector<16xi1>, vector<16xf32>
    %select_n3A_97 = arith.select %eq3A_94, %get3A_32, %get3A_37 : vector<16xi1>, vector<16xf32>
    %select_n3A_98 = arith.select %eq3A_91, %get3A_27, %select_n3A_97 : vector<16xi1>, vector<16xf32>
    %eq3A_99 = arith.constant 0 : i32
    %eq3A_100 = vector.broadcast %eq3A_99 : i32 to vector<16xi32>
    %eq3A_101 = arith.cmpi eq, %get3A_85, %eq3A_100 : vector<16xi32>
    %select_n3A_102 = arith.select %eq3A_101, %select_n3A_96, %select_n3A_98 : vector<16xi1>, vector<16xf32>
    %swap3A_103 = arith.constant 32 : index
    %swap3A_104 = tpu.vector_load %arg9[%swap3A_103] {strides = array<i32>} : memref<512xf32, #tpu.memory_space<vmem>>, vector<16xf32>,
    %swap3A_105 = vector.shape_cast %swap3A_104 : vector<16xf32> to vector<16xf32>
    %swap3A_106 = vector.shape_cast %select_n3A_102 : vector<16xf32> to vector<16xf32>
    tpu.vector_store %arg9[%swap3A_103], %swap3A_106 {strides = array<i32>} : memref<512xf32, #tpu.memory_space<vmem>>, vector<16xf32>,
    %get3A_107 = arith.constant 48 : index
    %get3A_108 = tpu.vector_load %arg7[%get3A_107] {strides = array<i32>} : memref<512xi32, #tpu.memory_space<vmem>>, vector<16xi32>,
    %get3A_109 = vector.shape_cast %get3A_108 : vector<16xi32> to vector<16xi32>
    %get3A_110 = arith.constant 48 : index
    %get3A_111 = tpu.vector_load %arg8[%get3A_110] {strides = array<i32>} : memref<512xi32, #tpu.memory_space<vmem>>, vector<16xi32>,
    %get3A_112 = vector.shape_cast %get3A_111 : vector<16xi32> to vector<16xi32>
    %eq3A_113 = arith.constant 0 : i32
    %eq3A_114 = vector.broadcast %eq3A_113 : i32 to vector<16xi32>
    %eq3A_115 = arith.cmpi eq, %get3A_112, %eq3A_114 : vector<16xi32>
    %eq3A_116 = arith.constant 1 : i32
    %eq3A_117 = vector.broadcast %eq3A_116 : i32 to vector<16xi32>
    %eq3A_118 = arith.cmpi eq, %get3A_112, %eq3A_117 : vector<16xi32>
    %select_n3A_119 = arith.select %eq3A_118, %get3A_17, %get3A_22 : vector<16xi1>, vector<16xf32>
    %select_n3A_120 = arith.select %eq3A_115, %get3A_12, %select_n3A_119 : vector<16xi1>, vector<16xf32>
    %select_n3A_121 = arith.select %eq3A_118, %get3A_32, %get3A_37 : vector<16xi1>, vector<16xf32>
    %select_n3A_122 = arith.select %eq3A_115, %get3A_27, %select_n3A_121 : vector<16xi1>, vector<16xf32>
    %eq3A_123 = arith.constant 0 : i32
    %eq3A_124 = vector.broadcast %eq3A_123 : i32 to vector<16xi32>
    %eq3A_125 = arith.cmpi eq, %get3A_109, %eq3A_124 : vector<16xi32>
    %select_n3A_126 = arith.select %eq3A_125, %select_n3A_120, %select_n3A_122 : vector<16xi1>, vector<16xf32>
    %swap3A_127 = arith.constant 48 : index
    %swap3A_128 = tpu.vector_load %arg9[%swap3A_127] {strides = array<i32>} : memref<512xf32, #tpu.memory_space<vmem>>, vector<16xf32>,
    %swap3A_129 = vector.shape_cast %swap3A_128 : vector<16xf32> to vector<16xf32>
    %swap3A_130 = vector.shape_cast %select_n3A_126 : vector<16xf32> to vector<16xf32>
    tpu.vector_store %arg9[%swap3A_127], %swap3A_130 {strides = array<i32>} : memref<512xf32, #tpu.memory_space<vmem>>, vector<16xf32>,
    %get3A_131 = arith.constant 64 : index
    %get3A_132 = tpu.vector_load %arg7[%get3A_131] {strides = array<i32>} : memref<512xi32, #tpu.memory_space<vmem>>, vector<16xi32>,
    %get3A_133 = vector.shape_cast %get3A_132 : vector<16xi32> to vector<16xi32>
    %get3A_134 = arith.constant 64 : index
    %get3A_135 = tpu.vector_load %arg8[%get3A_134] {strides = array<i32>} : memref<512xi32, #tpu.memory_space<vmem>>, vector<16xi32>,
    %get3A_136 = vector.shape_cast %get3A_135 : vector<16xi32> to vector<16xi32>
    %eq3A_137 = arith.constant 0 : i32
    %eq3A_138 = vector.broadcast %eq3A_137 : i32 to vector<16xi32>
    %eq3A_139 = arith.cmpi eq, %get3A_136, %eq3A_138 : vector<16xi32>
    %eq3A_140 = arith.constant 1 : i32
    %eq3A_141 = vector.broadcast %eq3A_140 : i32 to vector<16xi32>
    %eq3A_142 = arith.cmpi eq, %get3A_136, %eq3A_141 : vector<16xi32>
    %select_n3A_143 = arith.select %eq3A_142, %get3A_17, %get3A_22 : vector<16xi1>, vector<16xf32>
    %select_n3A_144 = arith.select %eq3A_139, %get3A_12, %select_n3A_143 : vector<16xi1>, vector<16xf32>
    %select_n3A_145 = arith.select %eq3A_142, %get3A_32, %get3A_37 : vector<16xi1>, vector<16xf32>
    %select_n3A_146 = arith.select %eq3A_139, %get3A_27, %select_n3A_145 : vector<16xi1>, vector<16xf32>
    %eq3A_147 = arith.constant 0 : i32
    %eq3A_148 = vector.broadcast %eq3A_147 : i32 to vector<16xi32>
    %eq3A_149 = arith.cmpi eq, %get3A_133, %eq3A_148 : vector<16xi32>
    %select_n3A_150 = arith.select %eq3A_149, %select_n3A_144, %select_n3A_146 : vector<16xi1>, vector<16xf32>
    %swap3A_151 = arith.constant 64 : index
    %swap3A_152 = tpu.vector_load %arg9[%swap3A_151] {strides = array<i32>} : memref<512xf32, #tpu.memory_space<vmem>>, vector<16xf32>,
    %swap3A_153 = vector.shape_cast %swap3A_152 : vector<16xf32> to vector<16xf32>
    %swap3A_154 = vector.shape_cast %select_n3A_150 : vector<16xf32> to vector<16xf32>
    tpu.vector_store %arg9[%swap3A_151], %swap3A_154 {strides = array<i32>} : memref<512xf32, #tpu.memory_space<vmem>>, vector<16xf32>,
    %get3A_155 = arith.constant 80 : index
    %get3A_156 = tpu.vector_load %arg7[%get3A_155] {strides = array<i32>} : memref<512xi32, #tpu.memory_space<vmem>>, vector<16xi32>,
    %get3A_157 = vector.shape_cast %get3A_156 : vector<16xi32> to vector<16xi32>
    %get3A_158 = arith.constant 80 : index
    %get3A_159 = tpu.vector_load %arg8[%get3A_158] {strides = array<i32>} : memref<512xi32, #tpu.memory_space<vmem>>, vector<16xi32>,
    %get3A_160 = vector.shape_cast %get3A_159 : vector<16xi32> to vector<16xi32>
    %eq3A_161 = arith.constant 0 : i32
    %eq3A_162 = vector.broadcast %eq3A_161 : i32 to vector<16xi32>
    %eq3A_163 = arith.cmpi eq, %get3A_160, %eq3A_162 : vector<16xi32>
    %eq3A_164 = arith.constant 1 : i32
    %eq3A_165 = vector.broadcast %eq3A_164 : i32 to vector<16xi32>
    %eq3A_166 = arith.cmpi eq, %get3A_160, %eq3A_165 : vector<16xi32>
    %select_n3A_167 = arith.select %eq3A_166, %get3A_17, %get3A_22 : vector<16xi1>, vector<16xf32>
    %select_n3A_168 = arith.select %eq3A_163, %get3A_12, %select_n3A_167 : vector<16xi1>, vector<16xf32>
    %select_n3A_169 = arith.select %eq3A_166, %get3A_32, %get3A_37 : vector<16xi1>, vector<16xf32>
    %select_n3A_170 = arith.select %eq3A_163, %get3A_27, %select_n3A_169 : vector<16xi1>, vector<16xf32>
    %eq3A_171 = arith.constant 0 : i32
    %eq3A_172 = vector.broadcast %eq3A_171 : i32 to vector<16xi32>
    %eq3A_173 = arith.cmpi eq, %get3A_157, %eq3A_172 : vector<16xi32>
    %select_n3A_174 = arith.select %eq3A_173, %select_n3A_168, %select_n3A_170 : vector<16xi1>, vector<16xf32>
    %swap3A_175 = arith.constant 80 : index
    %swap3A_176 = tpu.vector_load %arg9[%swap3A_175] {strides = array<i32>} : memref<512xf32, #tpu.memory_space<vmem>>, vector<16xf32>,
    %swap3A_177 = vector.shape_cast %swap3A_176 : vector<16xf32> to vector<16xf32>
    %swap3A_178 = vector.shape_cast %select_n3A_174 : vector<16xf32> to vector<16xf32>
    tpu.vector_store %arg9[%swap3A_175], %swap3A_178 {strides = array<i32>} : memref<512xf32, #tpu.memory_space<vmem>>, vector<16xf32>,
    %get3A_179 = arith.constant 96 : index
    %get3A_180 = tpu.vector_load %arg7[%get3A_179] {strides = array<i32>} : memref<512xi32, #tpu.memory_space<vmem>>, vector<16xi32>,
    %get3A_181 = vector.shape_cast %get3A_180 : vector<16xi32> to vector<16xi32>
    %get3A_182 = arith.constant 96 : index
    %get3A_183 = tpu.vector_load %arg8[%get3A_182] {strides = array<i32>} : memref<512xi32, #tpu.memory_space<vmem>>, vector<16xi32>,
    %get3A_184 = vector.shape_cast %get3A_183 : vector<16xi32> to vector<16xi32>
    %eq3A_185 = arith.constant 0 : i32
    %eq3A_186 = vector.broadcast %eq3A_185 : i32 to vector<16xi32>
    %eq3A_187 = arith.cmpi eq, %get3A_184, %eq3A_186 : vector<16xi32>
    %eq3A_188 = arith.constant 1 : i32
    %eq3A_189 = vector.broadcast %eq3A_188 : i32 to vector<16xi32>
    %eq3A_190 = arith.cmpi eq, %get3A_184, %eq3A_189 : vector<16xi32>
    %select_n3A_191 = arith.select %eq3A_190, %get3A_17, %get3A_22 : vector<16xi1>, vector<16xf32>
    %select_n3A_192 = arith.select %eq3A_187, %get3A_12, %select_n3A_191 : vector<16xi1>, vector<16xf32>
    %select_n3A_193 = arith.select %eq3A_190, %get3A_32, %get3A_37 : vector<16xi1>, vector<16xf32>
    %select_n3A_194 = arith.select %eq3A_187, %get3A_27, %select_n3A_193 : vector<16xi1>, vector<16xf32>
    %eq3A_195 = arith.constant 0 : i32
    %eq3A_196 = vector.broadcast %eq3A_195 : i32 to vector<16xi32>
    %eq3A_197 = arith.cmpi eq, %get3A_181, %eq3A_196 : vector<16xi32>
    %select_n3A_198 = arith.select %eq3A_197, %select_n3A_192, %select_n3A_194 : vector<16xi1>, vector<16xf32>
    %swap3A_199 = arith.constant 96 : index
    %swap3A_200 = tpu.vector_load %arg9[%swap3A_199] {strides = array<i32>} : memref<512xf32, #tpu.memory_space<vmem>>, vector<16xf32>,
    %swap3A_201 = vector.shape_cast %swap3A_200 : vector<16xf32> to vector<16xf32>
    %swap3A_202 = vector.shape_cast %select_n3A_198 : vector<16xf32> to vector<16xf32>
    tpu.vector_store %arg9[%swap3A_199], %swap3A_202 {strides = array<i32>} : memref<512xf32, #tpu.memory_space<vmem>>, vector<16xf32>,
    %get3A_203 = arith.constant 112 : index
    %get3A_204 = tpu.vector_load %arg7[%get3A_203] {strides = array<i32>} : memref<512xi32, #tpu.memory_space<vmem>>, vector<16xi32>,
    %get3A_205 = vector.shape_cast %get3A_204 : vector<16xi32> to vector<16xi32>
    %get3A_206 = arith.constant 112 : index
    %get3A_207 = tpu.vector_load %arg8[%get3A_206] {strides = array<i32>} : memref<512xi32, #tpu.memory_space<vmem>>, vector<16xi32>,
    %get3A_208 = vector.shape_cast %get3A_207 : vector<16xi32> to vector<16xi32>
    %eq3A_209 = arith.constant 0 : i32
    %eq3A_210 = vector.broadcast %eq3A_209 : i32 to vector<16xi32>
    %eq3A_211 = arith.cmpi eq, %get3A_208, %eq3A_210 : vector<16xi32>
    %eq3A_212 = arith.constant 1 : i32
    %eq3A_213 = vector.broadcast %eq3A_212 : i32 to vector<16xi32>
    %eq3A_214 = arith.cmpi eq, %get3A_208, %eq3A_213 : vector<16xi32>
    %select_n3A_215 = arith.select %eq3A_214, %get3A_17, %get3A_22 : vector<16xi1>, vector<16xf32>
    %select_n3A_216 = arith.select %eq3A_211, %get3A_12, %select_n3A_215 : vector<16xi1>, vector<16xf32>
    %select_n3A_217 = arith.select %eq3A_214, %get3A_32, %get3A_37 : vector<16xi1>, vector<16xf32>
    %select_n3A_218 = arith.select %eq3A_211, %get3A_27, %select_n3A_217 : vector<16xi1>, vector<16xf32>
    %eq3A_219 = arith.constant 0 : i32
    %eq3A_220 = vector.broadcast %eq3A_219 : i32 to vector<16xi32>
    %eq3A_221 = arith.cmpi eq, %get3A_205, %eq3A_220 : vector<16xi32>
    %select_n3A_222 = arith.select %eq3A_221, %select_n3A_216, %select_n3A_218 : vector<16xi1>, vector<16xf32>
    %swap3A_223 = arith.constant 112 : index
    %swap3A_224 = tpu.vector_load %arg9[%swap3A_223] {strides = array<i32>} : memref<512xf32, #tpu.memory_space<vmem>>, vector<16xf32>,
    %swap3A_225 = vector.shape_cast %swap3A_224 : vector<16xf32> to vector<16xf32>
    %swap3A_226 = vector.shape_cast %select_n3A_222 : vector<16xf32> to vector<16xf32>
    tpu.vector_store %arg9[%swap3A_223], %swap3A_226 {strides = array<i32>} : memref<512xf32, #tpu.memory_space<vmem>>, vector<16xf32>,
    %get3A_227 = arith.constant 128 : index
    %get3A_228 = tpu.vector_load %arg7[%get3A_227] {strides = array<i32>} : memref<512xi32, #tpu.memory_space<vmem>>, vector<16xi32>,
    %get3A_229 = vector.shape_cast %get3A_228 : vector<16xi32> to vector<16xi32>
    %get3A_230 = arith.constant 128 : index
    %get3A_231 = tpu.vector_load %arg8[%get3A_230] {strides = array<i32>} : memref<512xi32, #tpu.memory_space<vmem>>, vector<16xi32>,
    %get3A_232 = vector.shape_cast %get3A_231 : vector<16xi32> to vector<16xi32>
    %eq3A_233 = arith.constant 0 : i32
    %eq3A_234 = vector.broadcast %eq3A_233 : i32 to vector<16xi32>
    %eq3A_235 = arith.cmpi eq, %get3A_232, %eq3A_234 : vector<16xi32>
    %eq3A_236 = arith.constant 1 : i32
    %eq3A_237 = vector.broadcast %eq3A_236 : i32 to vector<16xi32>
    %eq3A_238 = arith.cmpi eq, %get3A_232, %eq3A_237 : vector<16xi32>
    %select_n3A_239 = arith.select %eq3A_238, %get3A_17, %get3A_22 : vector<16xi1>, vector<16xf32>
    %select_n3A_240 = arith.select %eq3A_235, %get3A_12, %select_n3A_239 : vector<16xi1>, vector<16xf32>
    %select_n3A_241 = arith.select %eq3A_238, %get3A_32, %get3A_37 : vector<16xi1>, vector<16xf32>
    %select_n3A_242 = arith.select %eq3A_235, %get3A_27, %select_n3A_241 : vector<16xi1>, vector<16xf32>
    %eq3A_243 = arith.constant 0 : i32
    %eq3A_244 = vector.broadcast %eq3A_243 : i32 to vector<16xi32>
    %eq3A_245 = arith.cmpi eq, %get3A_229, %eq3A_244 : vector<16xi32>
    %select_n3A_246 = arith.select %eq3A_245, %select_n3A_240, %select_n3A_242 : vector<16xi1>, vector<16xf32>
    %swap3A_247 = arith.constant 128 : index
    %swap3A_248 = tpu.vector_load %arg9[%swap3A_247] {strides = array<i32>} : memref<512xf32, #tpu.memory_space<vmem>>, vector<16xf32>,
    %swap3A_249 = vector.shape_cast %swap3A_248 : vector<16xf32> to vector<16xf32>
    %swap3A_250 = vector.shape_cast %select_n3A_246 : vector<16xf32> to vector<16xf32>
    tpu.vector_store %arg9[%swap3A_247], %swap3A_250 {strides = array<i32>} : memref<512xf32, #tpu.memory_space<vmem>>, vector<16xf32>,
    %get3A_251 = arith.constant 144 : index
    %get3A_252 = tpu.vector_load %arg7[%get3A_251] {strides = array<i32>} : memref<512xi32, #tpu.memory_space<vmem>>, vector<16xi32>,
    %get3A_253 = vector.shape_cast %get3A_252 : vector<16xi32> to vector<16xi32>
    %get3A_254 = arith.constant 144 : index
    %get3A_255 = tpu.vector_load %arg8[%get3A_254] {strides = array<i32>} : memref<512xi32, #tpu.memory_space<vmem>>, vector<16xi32>,
    %get3A_256 = vector.shape_cast %get3A_255 : vector<16xi32> to vector<16xi32>
    %eq3A_257 = arith.constant 0 : i32
    %eq3A_258 = vector.broadcast %eq3A_257 : i32 to vector<16xi32>
    %eq3A_259 = arith.cmpi eq, %get3A_256, %eq3A_258 : vector<16xi32>
    %eq3A_260 = arith.constant 1 : i32
    %eq3A_261 = vector.broadcast %eq3A_260 : i32 to vector<16xi32>
    %eq3A_262 = arith.cmpi eq, %get3A_256, %eq3A_261 : vector<16xi32>
    %select_n3A_263 = arith.select %eq3A_262, %get3A_17, %get3A_22 : vector<16xi1>, vector<16xf32>
    %select_n3A_264 = arith.select %eq3A_259, %get3A_12, %select_n3A_263 : vector<16xi1>, vector<16xf32>
    %select_n3A_265 = arith.select %eq3A_262, %get3A_32, %get3A_37 : vector<16xi1>, vector<16xf32>
    %select_n3A_266 = arith.select %eq3A_259, %get3A_27, %select_n3A_265 : vector<16xi1>, vector<16xf32>
    %eq3A_267 = arith.constant 0 : i32
    %eq3A_268 = vector.broadcast %eq3A_267 : i32 to vector<16xi32>
    %eq3A_269 = arith.cmpi eq, %get3A_253, %eq3A_268 : vector<16xi32>
    %select_n3A_270 = arith.select %eq3A_269, %select_n3A_264, %select_n3A_266 : vector<16xi1>, vector<16xf32>
    %swap3A_271 = arith.constant 144 : index
    %swap3A_272 = tpu.vector_load %arg9[%swap3A_271] {strides = array<i32>} : memref<512xf32, #tpu.memory_space<vmem>>, vector<16xf32>,
    %swap3A_273 = vector.shape_cast %swap3A_272 : vector<16xf32> to vector<16xf32>
    %swap3A_274 = vector.shape_cast %select_n3A_270 : vector<16xf32> to vector<16xf32>
    tpu.vector_store %arg9[%swap3A_271], %swap3A_274 {strides = array<i32>} : memref<512xf32, #tpu.memory_space<vmem>>, vector<16xf32>,
    %get3A_275 = arith.constant 160 : index
    %get3A_276 = tpu.vector_load %arg7[%get3A_275] {strides = array<i32>} : memref<512xi32, #tpu.memory_space<vmem>>, vector<16xi32>,
    %get3A_277 = vector.shape_cast %get3A_276 : vector<16xi32> to vector<16xi32>
    %get3A_278 = arith.constant 160 : index
    %get3A_279 = tpu.vector_load %arg8[%get3A_278] {strides = array<i32>} : memref<512xi32, #tpu.memory_space<vmem>>, vector<16xi32>,
    %get3A_280 = vector.shape_cast %get3A_279 : vector<16xi32> to vector<16xi32>
    %eq3A_281 = arith.constant 0 : i32
    %eq3A_282 = vector.broadcast %eq3A_281 : i32 to vector<16xi32>
    %eq3A_283 = arith.cmpi eq, %get3A_280, %eq3A_282 : vector<16xi32>
    %eq3A_284 = arith.constant 1 : i32
    %eq3A_285 = vector.broadcast %eq3A_284 : i32 to vector<16xi32>
    %eq3A_286 = arith.cmpi eq, %get3A_280, %eq3A_285 : vector<16xi32>
    %select_n3A_287 = arith.select %eq3A_286, %get3A_17, %get3A_22 : vector<16xi1>, vector<16xf32>
    %select_n3A_288 = arith.select %eq3A_283, %get3A_12, %select_n3A_287 : vector<16xi1>, vector<16xf32>
    %select_n3A_289 = arith.select %eq3A_286, %get3A_32, %get3A_37 : vector<16xi1>, vector<16xf32>
    %select_n3A_290 = arith.select %eq3A_283, %get3A_27, %select_n3A_289 : vector<16xi1>, vector<16xf32>
    %eq3A_291 = arith.constant 0 : i32
    %eq3A_292 = vector.broadcast %eq3A_291 : i32 to vector<16xi32>
    %eq3A_293 = arith.cmpi eq, %get3A_277, %eq3A_292 : vector<16xi32>
    %select_n3A_294 = arith.select %eq3A_293, %select_n3A_288, %select_n3A_290 : vector<16xi1>, vector<16xf32>
    %swap3A_295 = arith.constant 160 : index
    %swap3A_296 = tpu.vector_load %arg9[%swap3A_295] {strides = array<i32>} : memref<512xf32, #tpu.memory_space<vmem>>, vector<16xf32>,
    %swap3A_297 = vector.shape_cast %swap3A_296 : vector<16xf32> to vector<16xf32>
    %swap3A_298 = vector.shape_cast %select_n3A_294 : vector<16xf32> to vector<16xf32>
    tpu.vector_store %arg9[%swap3A_295], %swap3A_298 {strides = array<i32>} : memref<512xf32, #tpu.memory_space<vmem>>, vector<16xf32>,
    %get3A_299 = arith.constant 176 : index
    %get3A_300 = tpu.vector_load %arg7[%get3A_299] {strides = array<i32>} : memref<512xi32, #tpu.memory_space<vmem>>, vector<16xi32>,
    %get3A_301 = vector.shape_cast %get3A_300 : vector<16xi32> to vector<16xi32>
    %get3A_302 = arith.constant 176 : index
    %get3A_303 = tpu.vector_load %arg8[%get3A_302] {strides = array<i32>} : memref<512xi32, #tpu.memory_space<vmem>>, vector<16xi32>,
    %get3A_304 = vector.shape_cast %get3A_303 : vector<16xi32> to vector<16xi32>
    %eq3A_305 = arith.constant 0 : i32
    %eq3A_306 = vector.broadcast %eq3A_305 : i32 to vector<16xi32>
    %eq3A_307 = arith.cmpi eq, %get3A_304, %eq3A_306 : vector<16xi32>
    %eq3A_308 = arith.constant 1 : i32
    %eq3A_309 = vector.broadcast %eq3A_308 : i32 to vector<16xi32>
    %eq3A_310 = arith.cmpi eq, %get3A_304, %eq3A_309 : vector<16xi32>
    %select_n3A_311 = arith.select %eq3A_310, %get3A_17, %get3A_22 : vector<16xi1>, vector<16xf32>
    %select_n3A_312 = arith.select %eq3A_307, %get3A_12, %select_n3A_311 : vector<16xi1>, vector<16xf32>
    %select_n3A_313 = arith.select %eq3A_310, %get3A_32, %get3A_37 : vector<16xi1>, vector<16xf32>
    %select_n3A_314 = arith.select %eq3A_307, %get3A_27, %select_n3A_313 : vector<16xi1>, vector<16xf32>
    %eq3A_315 = arith.constant 0 : i32
    %eq3A_316 = vector.broadcast %eq3A_315 : i32 to vector<16xi32>
    %eq3A_317 = arith.cmpi eq, %get3A_301, %eq3A_316 : vector<16xi32>
    %select_n3A_318 = arith.select %eq3A_317, %select_n3A_312, %select_n3A_314 : vector<16xi1>, vector<16xf32>
    %swap3A_319 = arith.constant 176 : index
    %swap3A_320 = tpu.vector_load %arg9[%swap3A_319] {strides = array<i32>} : memref<512xf32, #tpu.memory_space<vmem>>, vector<16xf32>,
    %swap3A_321 = vector.shape_cast %swap3A_320 : vector<16xf32> to vector<16xf32>
    %swap3A_322 = vector.shape_cast %select_n3A_318 : vector<16xf32> to vector<16xf32>
    tpu.vector_store %arg9[%swap3A_319], %swap3A_322 {strides = array<i32>} : memref<512xf32, #tpu.memory_space<vmem>>, vector<16xf32>,
    %get3A_323 = arith.constant 192 : index
    %get3A_324 = tpu.vector_load %arg7[%get3A_323] {strides = array<i32>} : memref<512xi32, #tpu.memory_space<vmem>>, vector<16xi32>,
    %get3A_325 = vector.shape_cast %get3A_324 : vector<16xi32> to vector<16xi32>
    %get3A_326 = arith.constant 192 : index
    %get3A_327 = tpu.vector_load %arg8[%get3A_326] {strides = array<i32>} : memref<512xi32, #tpu.memory_space<vmem>>, vector<16xi32>,
    %get3A_328 = vector.shape_cast %get3A_327 : vector<16xi32> to vector<16xi32>
    %eq3A_329 = arith.constant 0 : i32
    %eq3A_330 = vector.broadcast %eq3A_329 : i32 to vector<16xi32>
    %eq3A_331 = arith.cmpi eq, %get3A_328, %eq3A_330 : vector<16xi32>
    %eq3A_332 = arith.constant 1 : i32
    %eq3A_333 = vector.broadcast %eq3A_332 : i32 to vector<16xi32>
    %eq3A_334 = arith.cmpi eq, %get3A_328, %eq3A_333 : vector<16xi32>
    %select_n3A_335 = arith.select %eq3A_334, %get3A_17, %get3A_22 : vector<16xi1>, vector<16xf32>
    %select_n3A_336 = arith.select %eq3A_331, %get3A_12, %select_n3A_335 : vector<16xi1>, vector<16xf32>
    %select_n3A_337 = arith.select %eq3A_334, %get3A_32, %get3A_37 : vector<16xi1>, vector<16xf32>
    %select_n3A_338 = arith.select %eq3A_331, %get3A_27, %select_n3A_337 : vector<16xi1>, vector<16xf32>
    %eq3A_339 = arith.constant 0 : i32
    %eq3A_340 = vector.broadcast %eq3A_339 : i32 to vector<16xi32>
    %eq3A_341 = arith.cmpi eq, %get3A_325, %eq3A_340 : vector<16xi32>
    %select_n3A_342 = arith.select %eq3A_341, %select_n3A_336, %select_n3A_338 : vector<16xi1>, vector<16xf32>
    %swap3A_343 = arith.constant 192 : index
    %swap3A_344 = tpu.vector_load %arg9[%swap3A_343] {strides = array<i32>} : memref<512xf32, #tpu.memory_space<vmem>>, vector<16xf32>,
    %swap3A_345 = vector.shape_cast %swap3A_344 : vector<16xf32> to vector<16xf32>
    %swap3A_346 = vector.shape_cast %select_n3A_342 : vector<16xf32> to vector<16xf32>
    tpu.vector_store %arg9[%swap3A_343], %swap3A_346 {strides = array<i32>} : memref<512xf32, #tpu.memory_space<vmem>>, vector<16xf32>,
    %get3A_347 = arith.constant 208 : index
    %get3A_348 = tpu.vector_load %arg7[%get3A_347] {strides = array<i32>} : memref<512xi32, #tpu.memory_space<vmem>>, vector<16xi32>,
    %get3A_349 = vector.shape_cast %get3A_348 : vector<16xi32> to vector<16xi32>
    %get3A_350 = arith.constant 208 : index
    %get3A_351 = tpu.vector_load %arg8[%get3A_350] {strides = array<i32>} : memref<512xi32, #tpu.memory_space<vmem>>, vector<16xi32>,
    %get3A_352 = vector.shape_cast %get3A_351 : vector<16xi32> to vector<16xi32>
    %eq3A_353 = arith.constant 0 : i32
    %eq3A_354 = vector.broadcast %eq3A_353 : i32 to vector<16xi32>
    %eq3A_355 = arith.cmpi eq, %get3A_352, %eq3A_354 : vector<16xi32>
    %eq3A_356 = arith.constant 1 : i32
    %eq3A_357 = vector.broadcast %eq3A_356 : i32 to vector<16xi32>
    %eq3A_358 = arith.cmpi eq, %get3A_352, %eq3A_357 : vector<16xi32>
    %select_n3A_359 = arith.select %eq3A_358, %get3A_17, %get3A_22 : vector<16xi1>, vector<16xf32>
    %select_n3A_360 = arith.select %eq3A_355, %get3A_12, %select_n3A_359 : vector<16xi1>, vector<16xf32>
    %select_n3A_361 = arith.select %eq3A_358, %get3A_32, %get3A_37 : vector<16xi1>, vector<16xf32>
    %select_n3A_362 = arith.select %eq3A_355, %get3A_27, %select_n3A_361 : vector<16xi1>, vector<16xf32>
    %eq3A_363 = arith.constant 0 : i32
    %eq3A_364 = vector.broadcast %eq3A_363 : i32 to vector<16xi32>
    %eq3A_365 = arith.cmpi eq, %get3A_349, %eq3A_364 : vector<16xi32>
    %select_n3A_366 = arith.select %eq3A_365, %select_n3A_360, %select_n3A_362 : vector<16xi1>, vector<16xf32>
    %swap3A_367 = arith.constant 208 : index
    %swap3A_368 = tpu.vector_load %arg9[%swap3A_367] {strides = array<i32>} : memref<512xf32, #tpu.memory_space<vmem>>, vector<16xf32>,
    %swap3A_369 = vector.shape_cast %swap3A_368 : vector<16xf32> to vector<16xf32>
    %swap3A_370 = vector.shape_cast %select_n3A_366 : vector<16xf32> to vector<16xf32>
    tpu.vector_store %arg9[%swap3A_367], %swap3A_370 {strides = array<i32>} : memref<512xf32, #tpu.memory_space<vmem>>, vector<16xf32>,
    %get3A_371 = arith.constant 224 : index
    %get3A_372 = tpu.vector_load %arg7[%get3A_371] {strides = array<i32>} : memref<512xi32, #tpu.memory_space<vmem>>, vector<16xi32>,
    %get3A_373 = vector.shape_cast %get3A_372 : vector<16xi32> to vector<16xi32>
    %get3A_374 = arith.constant 224 : index
    %get3A_375 = tpu.vector_load %arg8[%get3A_374] {strides = array<i32>} : memref<512xi32, #tpu.memory_space<vmem>>, vector<16xi32>,
    %get3A_376 = vector.shape_cast %get3A_375 : vector<16xi32> to vector<16xi32>
    %eq3A_377 = arith.constant 0 : i32
    %eq3A_378 = vector.broadcast %eq3A_377 : i32 to vector<16xi32>
    %eq3A_379 = arith.cmpi eq, %get3A_376, %eq3A_378 : vector<16xi32>
    %eq3A_380 = arith.constant 1 : i32
    %eq3A_381 = vector.broadcast %eq3A_380 : i32 to vector<16xi32>
    %eq3A_382 = arith.cmpi eq, %get3A_376, %eq3A_381 : vector<16xi32>
    %select_n3A_383 = arith.select %eq3A_382, %get3A_17, %get3A_22 : vector<16xi1>, vector<16xf32>
    %select_n3A_384 = arith.select %eq3A_379, %get3A_12, %select_n3A_383 : vector<16xi1>, vector<16xf32>
    %select_n3A_385 = arith.select %eq3A_382, %get3A_32, %get3A_37 : vector<16xi1>, vector<16xf32>
    %select_n3A_386 = arith.select %eq3A_379, %get3A_27, %select_n3A_385 : vector<16xi1>, vector<16xf32>
    %eq3A_387 = arith.constant 0 : i32
    %eq3A_388 = vector.broadcast %eq3A_387 : i32 to vector<16xi32>
    %eq3A_389 = arith.cmpi eq, %get3A_373, %eq3A_388 : vector<16xi32>
    %select_n3A_390 = arith.select %eq3A_389, %select_n3A_384, %select_n3A_386 : vector<16xi1>, vector<16xf32>
    %swap3A_391 = arith.constant 224 : index
    %swap3A_392 = tpu.vector_load %arg9[%swap3A_391] {strides = array<i32>} : memref<512xf32, #tpu.memory_space<vmem>>, vector<16xf32>,
    %swap3A_393 = vector.shape_cast %swap3A_392 : vector<16xf32> to vector<16xf32>
    %swap3A_394 = vector.shape_cast %select_n3A_390 : vector<16xf32> to vector<16xf32>
    tpu.vector_store %arg9[%swap3A_391], %swap3A_394 {strides = array<i32>} : memref<512xf32, #tpu.memory_space<vmem>>, vector<16xf32>,
    %get3A_395 = arith.constant 240 : index
    %get3A_396 = tpu.vector_load %arg7[%get3A_395] {strides = array<i32>} : memref<512xi32, #tpu.memory_space<vmem>>, vector<16xi32>,
    %get3A_397 = vector.shape_cast %get3A_396 : vector<16xi32> to vector<16xi32>
    %get3A_398 = arith.constant 240 : index
    %get3A_399 = tpu.vector_load %arg8[%get3A_398] {strides = array<i32>} : memref<512xi32, #tpu.memory_space<vmem>>, vector<16xi32>,
    %get3A_400 = vector.shape_cast %get3A_399 : vector<16xi32> to vector<16xi32>
    %eq3A_401 = arith.constant 0 : i32
    %eq3A_402 = vector.broadcast %eq3A_401 : i32 to vector<16xi32>
    %eq3A_403 = arith.cmpi eq, %get3A_400, %eq3A_402 : vector<16xi32>
    %eq3A_404 = arith.constant 1 : i32
    %eq3A_405 = vector.broadcast %eq3A_404 : i32 to vector<16xi32>
    %eq3A_406 = arith.cmpi eq, %get3A_400, %eq3A_405 : vector<16xi32>
    %select_n3A_407 = arith.select %eq3A_406, %get3A_17, %get3A_22 : vector<16xi1>, vector<16xf32>
    %select_n3A_408 = arith.select %eq3A_403, %get3A_12, %select_n3A_407 : vector<16xi1>, vector<16xf32>
    %select_n3A_409 = arith.select %eq3A_406, %get3A_32, %get3A_37 : vector<16xi1>, vector<16xf32>
    %select_n3A_410 = arith.select %eq3A_403, %get3A_27, %select_n3A_409 : vector<16xi1>, vector<16xf32>
    %eq3A_411 = arith.constant 0 : i32
    %eq3A_412 = vector.broadcast %eq3A_411 : i32 to vector<16xi32>
    %eq3A_413 = arith.cmpi eq, %get3A_397, %eq3A_412 : vector<16xi32>
    %select_n3A_414 = arith.select %eq3A_413, %select_n3A_408, %select_n3A_410 : vector<16xi1>, vector<16xf32>
    %swap3A_415 = arith.constant 240 : index
    %swap3A_416 = tpu.vector_load %arg9[%swap3A_415] {strides = array<i32>} : memref<512xf32, #tpu.memory_space<vmem>>, vector<16xf32>,
    %swap3A_417 = vector.shape_cast %swap3A_416 : vector<16xf32> to vector<16xf32>
    %swap3A_418 = vector.shape_cast %select_n3A_414 : vector<16xf32> to vector<16xf32>
    tpu.vector_store %arg9[%swap3A_415], %swap3A_418 {strides = array<i32>} : memref<512xf32, #tpu.memory_space<vmem>>, vector<16xf32>,
    %dma_start3A_419 = arith.constant 0 : i32
    %dma_start3A_420 = tpu.memref_slice %arg9[%dma_start3A_419] : memref<512xf32, #tpu.memory_space<vmem>> -> memref<256xf32, #tpu.memory_space<vmem>>
    %dma_start3A_421 = tpu.memref_slice %arg5[%mul3A_2] : memref<16384xf32, #tpu.memory_space<hbm>> -> memref<256xf32, #tpu.memory_space<hbm>>
    %dma_start3A_422 = tpu.memref_slice %arg5[%mul3A_2] : memref<16384xf32, #tpu.memory_space<hbm>> -> memref<256xf32, #tpu.memory_space<hbm>>
    %dma_start3A_423 = arith.constant 0 : i32
    %dma_start3A_424 = tpu.memref_slice %arg9[%dma_start3A_423] : memref<512xf32, #tpu.memory_space<vmem>> -> memref<256xf32, #tpu.memory_space<vmem>>
    tpu.enqueue_dma source(%dma_start3A_424 : memref<256xf32, #tpu.memory_space<vmem>>) target(%dma_start3A_422 : memref<256xf32, #tpu.memory_space<hbm>>) target_semaphore(%arg10 : memref<!tpu.dma_semaphore, #tpu.memory_space<semaphore_mem>>)
    %get3A_425 = arith.constant 256 : index
    %get3A_426 = tpu.vector_load %arg7[%get3A_425] {strides = array<i32>} : memref<512xi32, #tpu.memory_space<vmem>>, vector<16xi32>,
    %get3A_427 = vector.shape_cast %get3A_426 : vector<16xi32> to vector<16xi32>
    %get3A_428 = arith.constant 256 : index
    %get3A_429 = tpu.vector_load %arg8[%get3A_428] {strides = array<i32>} : memref<512xi32, #tpu.memory_space<vmem>>, vector<16xi32>,
    %get3A_430 = vector.shape_cast %get3A_429 : vector<16xi32> to vector<16xi32>
    %eq3A_431 = arith.constant 0 : i32
    %eq3A_432 = vector.broadcast %eq3A_431 : i32 to vector<16xi32>
    %eq3A_433 = arith.cmpi eq, %get3A_430, %eq3A_432 : vector<16xi32>
    %eq3A_434 = arith.constant 1 : i32
    %eq3A_435 = vector.broadcast %eq3A_434 : i32 to vector<16xi32>
    %eq3A_436 = arith.cmpi eq, %get3A_430, %eq3A_435 : vector<16xi32>
    %select_n3A_437 = arith.select %eq3A_436, %get3A_17, %get3A_22 : vector<16xi1>, vector<16xf32>
    %select_n3A_438 = arith.select %eq3A_433, %get3A_12, %select_n3A_437 : vector<16xi1>, vector<16xf32>
    %select_n3A_439 = arith.select %eq3A_436, %get3A_32, %get3A_37 : vector<16xi1>, vector<16xf32>
    %select_n3A_440 = arith.select %eq3A_433, %get3A_27, %select_n3A_439 : vector<16xi1>, vector<16xf32>
    %eq3A_441 = arith.constant 0 : i32
    %eq3A_442 = vector.broadcast %eq3A_441 : i32 to vector<16xi32>
    %eq3A_443 = arith.cmpi eq, %get3A_427, %eq3A_442 : vector<16xi32>
    %select_n3A_444 = arith.select %eq3A_443, %select_n3A_438, %select_n3A_440 : vector<16xi1>, vector<16xf32>
    %swap3A_445 = arith.constant 256 : index
    %swap3A_446 = tpu.vector_load %arg9[%swap3A_445] {strides = array<i32>} : memref<512xf32, #tpu.memory_space<vmem>>, vector<16xf32>,
    %swap3A_447 = vector.shape_cast %swap3A_446 : vector<16xf32> to vector<16xf32>
    %swap3A_448 = vector.shape_cast %select_n3A_444 : vector<16xf32> to vector<16xf32>
    tpu.vector_store %arg9[%swap3A_445], %swap3A_448 {strides = array<i32>} : memref<512xf32, #tpu.memory_space<vmem>>, vector<16xf32>,
    %get3A_449 = arith.constant 272 : index
    %get3A_450 = tpu.vector_load %arg7[%get3A_449] {strides = array<i32>} : memref<512xi32, #tpu.memory_space<vmem>>, vector<16xi32>,
    %get3A_451 = vector.shape_cast %get3A_450 : vector<16xi32> to vector<16xi32>
    %get3A_452 = arith.constant 272 : index
    %get3A_453 = tpu.vector_load %arg8[%get3A_452] {strides = array<i32>} : memref<512xi32, #tpu.memory_space<vmem>>, vector<16xi32>,
    %get3A_454 = vector.shape_cast %get3A_453 : vector<16xi32> to vector<16xi32>
    %eq3A_455 = arith.constant 0 : i32
    %eq3A_456 = vector.broadcast %eq3A_455 : i32 to vector<16xi32>
    %eq3A_457 = arith.cmpi eq, %get3A_454, %eq3A_456 : vector<16xi32>
    %eq3A_458 = arith.constant 1 : i32
    %eq3A_459 = vector.broadcast %eq3A_458 : i32 to vector<16xi32>
    %eq3A_460 = arith.cmpi eq, %get3A_454, %eq3A_459 : vector<16xi32>
    %select_n3A_461 = arith.select %eq3A_460, %get3A_17, %get3A_22 : vector<16xi1>, vector<16xf32>
    %select_n3A_462 = arith.select %eq3A_457, %get3A_12, %select_n3A_461 : vector<16xi1>, vector<16xf32>
    %select_n3A_463 = arith.select %eq3A_460, %get3A_32, %get3A_37 : vector<16xi1>, vector<16xf32>
    %select_n3A_464 = arith.select %eq3A_457, %get3A_27, %select_n3A_463 : vector<16xi1>, vector<16xf32>
    %eq3A_465 = arith.constant 0 : i32
    %eq3A_466 = vector.broadcast %eq3A_465 : i32 to vector<16xi32>
    %eq3A_467 = arith.cmpi eq, %get3A_451, %eq3A_466 : vector<16xi32>
    %select_n3A_468 = arith.select %eq3A_467, %select_n3A_462, %select_n3A_464 : vector<16xi1>, vector<16xf32>
    %swap3A_469 = arith.constant 272 : index
    %swap3A_470 = tpu.vector_load %arg9[%swap3A_469] {strides = array<i32>} : memref<512xf32, #tpu.memory_space<vmem>>, vector<16xf32>,
    %swap3A_471 = vector.shape_cast %swap3A_470 : vector<16xf32> to vector<16xf32>
    %swap3A_472 = vector.shape_cast %select_n3A_468 : vector<16xf32> to vector<16xf32>
    tpu.vector_store %arg9[%swap3A_469], %swap3A_472 {strides = array<i32>} : memref<512xf32, #tpu.memory_space<vmem>>, vector<16xf32>,
    %get3A_473 = arith.constant 288 : index
    %get3A_474 = tpu.vector_load %arg7[%get3A_473] {strides = array<i32>} : memref<512xi32, #tpu.memory_space<vmem>>, vector<16xi32>,
    %get3A_475 = vector.shape_cast %get3A_474 : vector<16xi32> to vector<16xi32>
    %get3A_476 = arith.constant 288 : index
    %get3A_477 = tpu.vector_load %arg8[%get3A_476] {strides = array<i32>} : memref<512xi32, #tpu.memory_space<vmem>>, vector<16xi32>,
    %get3A_478 = vector.shape_cast %get3A_477 : vector<16xi32> to vector<16xi32>
    %eq3A_479 = arith.constant 0 : i32
    %eq3A_480 = vector.broadcast %eq3A_479 : i32 to vector<16xi32>
    %eq3A_481 = arith.cmpi eq, %get3A_478, %eq3A_480 : vector<16xi32>
    %eq3A_482 = arith.constant 1 : i32
    %eq3A_483 = vector.broadcast %eq3A_482 : i32 to vector<16xi32>
    %eq3A_484 = arith.cmpi eq, %get3A_478, %eq3A_483 : vector<16xi32>
    %select_n3A_485 = arith.select %eq3A_484, %get3A_17, %get3A_22 : vector<16xi1>, vector<16xf32>
    %select_n3A_486 = arith.select %eq3A_481, %get3A_12, %select_n3A_485 : vector<16xi1>, vector<16xf32>
    %select_n3A_487 = arith.select %eq3A_484, %get3A_32, %get3A_37 : vector<16xi1>, vector<16xf32>
    %select_n3A_488 = arith.select %eq3A_481, %get3A_27, %select_n3A_487 : vector<16xi1>, vector<16xf32>
    %eq3A_489 = arith.constant 0 : i32
    %eq3A_490 = vector.broadcast %eq3A_489 : i32 to vector<16xi32>
    %eq3A_491 = arith.cmpi eq, %get3A_475, %eq3A_490 : vector<16xi32>
    %select_n3A_492 = arith.select %eq3A_491, %select_n3A_486, %select_n3A_488 : vector<16xi1>, vector<16xf32>
    %swap3A_493 = arith.constant 288 : index
    %swap3A_494 = tpu.vector_load %arg9[%swap3A_493] {strides = array<i32>} : memref<512xf32, #tpu.memory_space<vmem>>, vector<16xf32>,
    %swap3A_495 = vector.shape_cast %swap3A_494 : vector<16xf32> to vector<16xf32>
    %swap3A_496 = vector.shape_cast %select_n3A_492 : vector<16xf32> to vector<16xf32>
    tpu.vector_store %arg9[%swap3A_493], %swap3A_496 {strides = array<i32>} : memref<512xf32, #tpu.memory_space<vmem>>, vector<16xf32>,
    %get3A_497 = arith.constant 304 : index
    %get3A_498 = tpu.vector_load %arg7[%get3A_497] {strides = array<i32>} : memref<512xi32, #tpu.memory_space<vmem>>, vector<16xi32>,
    %get3A_499 = vector.shape_cast %get3A_498 : vector<16xi32> to vector<16xi32>
    %get3A_500 = arith.constant 304 : index
    %get3A_501 = tpu.vector_load %arg8[%get3A_500] {strides = array<i32>} : memref<512xi32, #tpu.memory_space<vmem>>, vector<16xi32>,
    %get3A_502 = vector.shape_cast %get3A_501 : vector<16xi32> to vector<16xi32>
    %eq3A_503 = arith.constant 0 : i32
    %eq3A_504 = vector.broadcast %eq3A_503 : i32 to vector<16xi32>
    %eq3A_505 = arith.cmpi eq, %get3A_502, %eq3A_504 : vector<16xi32>
    %eq3A_506 = arith.constant 1 : i32
    %eq3A_507 = vector.broadcast %eq3A_506 : i32 to vector<16xi32>
    %eq3A_508 = arith.cmpi eq, %get3A_502, %eq3A_507 : vector<16xi32>
    %select_n3A_509 = arith.select %eq3A_508, %get3A_17, %get3A_22 : vector<16xi1>, vector<16xf32>
    %select_n3A_510 = arith.select %eq3A_505, %get3A_12, %select_n3A_509 : vector<16xi1>, vector<16xf32>
    %select_n3A_511 = arith.select %eq3A_508, %get3A_32, %get3A_37 : vector<16xi1>, vector<16xf32>
    %select_n3A_512 = arith.select %eq3A_505, %get3A_27, %select_n3A_511 : vector<16xi1>, vector<16xf32>
    %eq3A_513 = arith.constant 0 : i32
    %eq3A_514 = vector.broadcast %eq3A_513 : i32 to vector<16xi32>
    %eq3A_515 = arith.cmpi eq, %get3A_499, %eq3A_514 : vector<16xi32>
    %select_n3A_516 = arith.select %eq3A_515, %select_n3A_510, %select_n3A_512 : vector<16xi1>, vector<16xf32>
    %swap3A_517 = arith.constant 304 : index
    %swap3A_518 = tpu.vector_load %arg9[%swap3A_517] {strides = array<i32>} : memref<512xf32, #tpu.memory_space<vmem>>, vector<16xf32>,
    %swap3A_519 = vector.shape_cast %swap3A_518 : vector<16xf32> to vector<16xf32>
    %swap3A_520 = vector.shape_cast %select_n3A_516 : vector<16xf32> to vector<16xf32>
    tpu.vector_store %arg9[%swap3A_517], %swap3A_520 {strides = array<i32>} : memref<512xf32, #tpu.memory_space<vmem>>, vector<16xf32>,
    %get3A_521 = arith.constant 320 : index
    %get3A_522 = tpu.vector_load %arg7[%get3A_521] {strides = array<i32>} : memref<512xi32, #tpu.memory_space<vmem>>, vector<16xi32>,
    %get3A_523 = vector.shape_cast %get3A_522 : vector<16xi32> to vector<16xi32>
    %get3A_524 = arith.constant 320 : index
    %get3A_525 = tpu.vector_load %arg8[%get3A_524] {strides = array<i32>} : memref<512xi32, #tpu.memory_space<vmem>>, vector<16xi32>,
    %get3A_526 = vector.shape_cast %get3A_525 : vector<16xi32> to vector<16xi32>
    %eq3A_527 = arith.constant 0 : i32
    %eq3A_528 = vector.broadcast %eq3A_527 : i32 to vector<16xi32>
    %eq3A_529 = arith.cmpi eq, %get3A_526, %eq3A_528 : vector<16xi32>
    %eq3A_530 = arith.constant 1 : i32
    %eq3A_531 = vector.broadcast %eq3A_530 : i32 to vector<16xi32>
    %eq3A_532 = arith.cmpi eq, %get3A_526, %eq3A_531 : vector<16xi32>
    %select_n3A_533 = arith.select %eq3A_532, %get3A_17, %get3A_22 : vector<16xi1>, vector<16xf32>
    %select_n3A_534 = arith.select %eq3A_529, %get3A_12, %select_n3A_533 : vector<16xi1>, vector<16xf32>
    %select_n3A_535 = arith.select %eq3A_532, %get3A_32, %get3A_37 : vector<16xi1>, vector<16xf32>
    %select_n3A_536 = arith.select %eq3A_529, %get3A_27, %select_n3A_535 : vector<16xi1>, vector<16xf32>
    %eq3A_537 = arith.constant 0 : i32
    %eq3A_538 = vector.broadcast %eq3A_537 : i32 to vector<16xi32>
    %eq3A_539 = arith.cmpi eq, %get3A_523, %eq3A_538 : vector<16xi32>
    %select_n3A_540 = arith.select %eq3A_539, %select_n3A_534, %select_n3A_536 : vector<16xi1>, vector<16xf32>
    %swap3A_541 = arith.constant 320 : index
    %swap3A_542 = tpu.vector_load %arg9[%swap3A_541] {strides = array<i32>} : memref<512xf32, #tpu.memory_space<vmem>>, vector<16xf32>,
    %swap3A_543 = vector.shape_cast %swap3A_542 : vector<16xf32> to vector<16xf32>
    %swap3A_544 = vector.shape_cast %select_n3A_540 : vector<16xf32> to vector<16xf32>
    tpu.vector_store %arg9[%swap3A_541], %swap3A_544 {strides = array<i32>} : memref<512xf32, #tpu.memory_space<vmem>>, vector<16xf32>,
    %get3A_545 = arith.constant 336 : index
    %get3A_546 = tpu.vector_load %arg7[%get3A_545] {strides = array<i32>} : memref<512xi32, #tpu.memory_space<vmem>>, vector<16xi32>,
    %get3A_547 = vector.shape_cast %get3A_546 : vector<16xi32> to vector<16xi32>
    %get3A_548 = arith.constant 336 : index
    %get3A_549 = tpu.vector_load %arg8[%get3A_548] {strides = array<i32>} : memref<512xi32, #tpu.memory_space<vmem>>, vector<16xi32>,
    %get3A_550 = vector.shape_cast %get3A_549 : vector<16xi32> to vector<16xi32>
    %eq3A_551 = arith.constant 0 : i32
    %eq3A_552 = vector.broadcast %eq3A_551 : i32 to vector<16xi32>
    %eq3A_553 = arith.cmpi eq, %get3A_550, %eq3A_552 : vector<16xi32>
    %eq3A_554 = arith.constant 1 : i32
    %eq3A_555 = vector.broadcast %eq3A_554 : i32 to vector<16xi32>
    %eq3A_556 = arith.cmpi eq, %get3A_550, %eq3A_555 : vector<16xi32>
    %select_n3A_557 = arith.select %eq3A_556, %get3A_17, %get3A_22 : vector<16xi1>, vector<16xf32>
    %select_n3A_558 = arith.select %eq3A_553, %get3A_12, %select_n3A_557 : vector<16xi1>, vector<16xf32>
    %select_n3A_559 = arith.select %eq3A_556, %get3A_32, %get3A_37 : vector<16xi1>, vector<16xf32>
    %select_n3A_560 = arith.select %eq3A_553, %get3A_27, %select_n3A_559 : vector<16xi1>, vector<16xf32>
    %eq3A_561 = arith.constant 0 : i32
    %eq3A_562 = vector.broadcast %eq3A_561 : i32 to vector<16xi32>
    %eq3A_563 = arith.cmpi eq, %get3A_547, %eq3A_562 : vector<16xi32>
    %select_n3A_564 = arith.select %eq3A_563, %select_n3A_558, %select_n3A_560 : vector<16xi1>, vector<16xf32>
    %swap3A_565 = arith.constant 336 : index
    %swap3A_566 = tpu.vector_load %arg9[%swap3A_565] {strides = array<i32>} : memref<512xf32, #tpu.memory_space<vmem>>, vector<16xf32>,
    %swap3A_567 = vector.shape_cast %swap3A_566 : vector<16xf32> to vector<16xf32>
    %swap3A_568 = vector.shape_cast %select_n3A_564 : vector<16xf32> to vector<16xf32>
    tpu.vector_store %arg9[%swap3A_565], %swap3A_568 {strides = array<i32>} : memref<512xf32, #tpu.memory_space<vmem>>, vector<16xf32>,
    %get3A_569 = arith.constant 352 : index
    %get3A_570 = tpu.vector_load %arg7[%get3A_569] {strides = array<i32>} : memref<512xi32, #tpu.memory_space<vmem>>, vector<16xi32>,
    %get3A_571 = vector.shape_cast %get3A_570 : vector<16xi32> to vector<16xi32>
    %get3A_572 = arith.constant 352 : index
    %get3A_573 = tpu.vector_load %arg8[%get3A_572] {strides = array<i32>} : memref<512xi32, #tpu.memory_space<vmem>>, vector<16xi32>,
    %get3A_574 = vector.shape_cast %get3A_573 : vector<16xi32> to vector<16xi32>
    %eq3A_575 = arith.constant 0 : i32
    %eq3A_576 = vector.broadcast %eq3A_575 : i32 to vector<16xi32>
    %eq3A_577 = arith.cmpi eq, %get3A_574, %eq3A_576 : vector<16xi32>
    %eq3A_578 = arith.constant 1 : i32
    %eq3A_579 = vector.broadcast %eq3A_578 : i32 to vector<16xi32>
    %eq3A_580 = arith.cmpi eq, %get3A_574, %eq3A_579 : vector<16xi32>
    %select_n3A_581 = arith.select %eq3A_580, %get3A_17, %get3A_22 : vector<16xi1>, vector<16xf32>
    %select_n3A_582 = arith.select %eq3A_577, %get3A_12, %select_n3A_581 : vector<16xi1>, vector<16xf32>
    %select_n3A_583 = arith.select %eq3A_580, %get3A_32, %get3A_37 : vector<16xi1>, vector<16xf32>
    %select_n3A_584 = arith.select %eq3A_577, %get3A_27, %select_n3A_583 : vector<16xi1>, vector<16xf32>
    %eq3A_585 = arith.constant 0 : i32
    %eq3A_586 = vector.broadcast %eq3A_585 : i32 to vector<16xi32>
    %eq3A_587 = arith.cmpi eq, %get3A_571, %eq3A_586 : vector<16xi32>
    %select_n3A_588 = arith.select %eq3A_587, %select_n3A_582, %select_n3A_584 : vector<16xi1>, vector<16xf32>
    %swap3A_589 = arith.constant 352 : index
    %swap3A_590 = tpu.vector_load %arg9[%swap3A_589] {strides = array<i32>} : memref<512xf32, #tpu.memory_space<vmem>>, vector<16xf32>,
    %swap3A_591 = vector.shape_cast %swap3A_590 : vector<16xf32> to vector<16xf32>
    %swap3A_592 = vector.shape_cast %select_n3A_588 : vector<16xf32> to vector<16xf32>
    tpu.vector_store %arg9[%swap3A_589], %swap3A_592 {strides = array<i32>} : memref<512xf32, #tpu.memory_space<vmem>>, vector<16xf32>,
    %get3A_593 = arith.constant 368 : index
    %get3A_594 = tpu.vector_load %arg7[%get3A_593] {strides = array<i32>} : memref<512xi32, #tpu.memory_space<vmem>>, vector<16xi32>,
    %get3A_595 = vector.shape_cast %get3A_594 : vector<16xi32> to vector<16xi32>
    %get3A_596 = arith.constant 368 : index
    %get3A_597 = tpu.vector_load %arg8[%get3A_596] {strides = array<i32>} : memref<512xi32, #tpu.memory_space<vmem>>, vector<16xi32>,
    %get3A_598 = vector.shape_cast %get3A_597 : vector<16xi32> to vector<16xi32>
    %eq3A_599 = arith.constant 0 : i32
    %eq3A_600 = vector.broadcast %eq3A_599 : i32 to vector<16xi32>
    %eq3A_601 = arith.cmpi eq, %get3A_598, %eq3A_600 : vector<16xi32>
    %eq3A_602 = arith.constant 1 : i32
    %eq3A_603 = vector.broadcast %eq3A_602 : i32 to vector<16xi32>
    %eq3A_604 = arith.cmpi eq, %get3A_598, %eq3A_603 : vector<16xi32>
    %select_n3A_605 = arith.select %eq3A_604, %get3A_17, %get3A_22 : vector<16xi1>, vector<16xf32>
    %select_n3A_606 = arith.select %eq3A_601, %get3A_12, %select_n3A_605 : vector<16xi1>, vector<16xf32>
    %select_n3A_607 = arith.select %eq3A_604, %get3A_32, %get3A_37 : vector<16xi1>, vector<16xf32>
    %select_n3A_608 = arith.select %eq3A_601, %get3A_27, %select_n3A_607 : vector<16xi1>, vector<16xf32>
    %eq3A_609 = arith.constant 0 : i32
    %eq3A_610 = vector.broadcast %eq3A_609 : i32 to vector<16xi32>
    %eq3A_611 = arith.cmpi eq, %get3A_595, %eq3A_610 : vector<16xi32>
    %select_n3A_612 = arith.select %eq3A_611, %select_n3A_606, %select_n3A_608 : vector<16xi1>, vector<16xf32>
    %swap3A_613 = arith.constant 368 : index
    %swap3A_614 = tpu.vector_load %arg9[%swap3A_613] {strides = array<i32>} : memref<512xf32, #tpu.memory_space<vmem>>, vector<16xf32>,
    %swap3A_615 = vector.shape_cast %swap3A_614 : vector<16xf32> to vector<16xf32>
    %swap3A_616 = vector.shape_cast %select_n3A_612 : vector<16xf32> to vector<16xf32>
    tpu.vector_store %arg9[%swap3A_613], %swap3A_616 {strides = array<i32>} : memref<512xf32, #tpu.memory_space<vmem>>, vector<16xf32>,
    %get3A_617 = arith.constant 384 : index
    %get3A_618 = tpu.vector_load %arg7[%get3A_617] {strides = array<i32>} : memref<512xi32, #tpu.memory_space<vmem>>, vector<16xi32>,
    %get3A_619 = vector.shape_cast %get3A_618 : vector<16xi32> to vector<16xi32>
    %get3A_620 = arith.constant 384 : index
    %get3A_621 = tpu.vector_load %arg8[%get3A_620] {strides = array<i32>} : memref<512xi32, #tpu.memory_space<vmem>>, vector<16xi32>,
    %get3A_622 = vector.shape_cast %get3A_621 : vector<16xi32> to vector<16xi32>
    %eq3A_623 = arith.constant 0 : i32
    %eq3A_624 = vector.broadcast %eq3A_623 : i32 to vector<16xi32>
    %eq3A_625 = arith.cmpi eq, %get3A_622, %eq3A_624 : vector<16xi32>
    %eq3A_626 = arith.constant 1 : i32
    %eq3A_627 = vector.broadcast %eq3A_626 : i32 to vector<16xi32>
    %eq3A_628 = arith.cmpi eq, %get3A_622, %eq3A_627 : vector<16xi32>
    %select_n3A_629 = arith.select %eq3A_628, %get3A_17, %get3A_22 : vector<16xi1>, vector<16xf32>
    %select_n3A_630 = arith.select %eq3A_625, %get3A_12, %select_n3A_629 : vector<16xi1>, vector<16xf32>
    %select_n3A_631 = arith.select %eq3A_628, %get3A_32, %get3A_37 : vector<16xi1>, vector<16xf32>
    %select_n3A_632 = arith.select %eq3A_625, %get3A_27, %select_n3A_631 : vector<16xi1>, vector<16xf32>
    %eq3A_633 = arith.constant 0 : i32
    %eq3A_634 = vector.broadcast %eq3A_633 : i32 to vector<16xi32>
    %eq3A_635 = arith.cmpi eq, %get3A_619, %eq3A_634 : vector<16xi32>
    %select_n3A_636 = arith.select %eq3A_635, %select_n3A_630, %select_n3A_632 : vector<16xi1>, vector<16xf32>
    %swap3A_637 = arith.constant 384 : index
    %swap3A_638 = tpu.vector_load %arg9[%swap3A_637] {strides = array<i32>} : memref<512xf32, #tpu.memory_space<vmem>>, vector<16xf32>,
    %swap3A_639 = vector.shape_cast %swap3A_638 : vector<16xf32> to vector<16xf32>
    %swap3A_640 = vector.shape_cast %select_n3A_636 : vector<16xf32> to vector<16xf32>
    tpu.vector_store %arg9[%swap3A_637], %swap3A_640 {strides = array<i32>} : memref<512xf32, #tpu.memory_space<vmem>>, vector<16xf32>,
    %get3A_641 = arith.constant 400 : index
    %get3A_642 = tpu.vector_load %arg7[%get3A_641] {strides = array<i32>} : memref<512xi32, #tpu.memory_space<vmem>>, vector<16xi32>,
    %get3A_643 = vector.shape_cast %get3A_642 : vector<16xi32> to vector<16xi32>
    %get3A_644 = arith.constant 400 : index
    %get3A_645 = tpu.vector_load %arg8[%get3A_644] {strides = array<i32>} : memref<512xi32, #tpu.memory_space<vmem>>, vector<16xi32>,
    %get3A_646 = vector.shape_cast %get3A_645 : vector<16xi32> to vector<16xi32>
    %eq3A_647 = arith.constant 0 : i32
    %eq3A_648 = vector.broadcast %eq3A_647 : i32 to vector<16xi32>
    %eq3A_649 = arith.cmpi eq, %get3A_646, %eq3A_648 : vector<16xi32>
    %eq3A_650 = arith.constant 1 : i32
    %eq3A_651 = vector.broadcast %eq3A_650 : i32 to vector<16xi32>
    %eq3A_652 = arith.cmpi eq, %get3A_646, %eq3A_651 : vector<16xi32>
    %select_n3A_653 = arith.select %eq3A_652, %get3A_17, %get3A_22 : vector<16xi1>, vector<16xf32>
    %select_n3A_654 = arith.select %eq3A_649, %get3A_12, %select_n3A_653 : vector<16xi1>, vector<16xf32>
    %select_n3A_655 = arith.select %eq3A_652, %get3A_32, %get3A_37 : vector<16xi1>, vector<16xf32>
    %select_n3A_656 = arith.select %eq3A_649, %get3A_27, %select_n3A_655 : vector<16xi1>, vector<16xf32>
    %eq3A_657 = arith.constant 0 : i32
    %eq3A_658 = vector.broadcast %eq3A_657 : i32 to vector<16xi32>
    %eq3A_659 = arith.cmpi eq, %get3A_643, %eq3A_658 : vector<16xi32>
    %select_n3A_660 = arith.select %eq3A_659, %select_n3A_654, %select_n3A_656 : vector<16xi1>, vector<16xf32>
    %swap3A_661 = arith.constant 400 : index
    %swap3A_662 = tpu.vector_load %arg9[%swap3A_661] {strides = array<i32>} : memref<512xf32, #tpu.memory_space<vmem>>, vector<16xf32>,
    %swap3A_663 = vector.shape_cast %swap3A_662 : vector<16xf32> to vector<16xf32>
    %swap3A_664 = vector.shape_cast %select_n3A_660 : vector<16xf32> to vector<16xf32>
    tpu.vector_store %arg9[%swap3A_661], %swap3A_664 {strides = array<i32>} : memref<512xf32, #tpu.memory_space<vmem>>, vector<16xf32>,
    %get3A_665 = arith.constant 416 : index
    %get3A_666 = tpu.vector_load %arg7[%get3A_665] {strides = array<i32>} : memref<512xi32, #tpu.memory_space<vmem>>, vector<16xi32>,
    %get3A_667 = vector.shape_cast %get3A_666 : vector<16xi32> to vector<16xi32>
    %get3A_668 = arith.constant 416 : index
    %get3A_669 = tpu.vector_load %arg8[%get3A_668] {strides = array<i32>} : memref<512xi32, #tpu.memory_space<vmem>>, vector<16xi32>,
    %get3A_670 = vector.shape_cast %get3A_669 : vector<16xi32> to vector<16xi32>
    %eq3A_671 = arith.constant 0 : i32
    %eq3A_672 = vector.broadcast %eq3A_671 : i32 to vector<16xi32>
    %eq3A_673 = arith.cmpi eq, %get3A_670, %eq3A_672 : vector<16xi32>
    %eq3A_674 = arith.constant 1 : i32
    %eq3A_675 = vector.broadcast %eq3A_674 : i32 to vector<16xi32>
    %eq3A_676 = arith.cmpi eq, %get3A_670, %eq3A_675 : vector<16xi32>
    %select_n3A_677 = arith.select %eq3A_676, %get3A_17, %get3A_22 : vector<16xi1>, vector<16xf32>
    %select_n3A_678 = arith.select %eq3A_673, %get3A_12, %select_n3A_677 : vector<16xi1>, vector<16xf32>
    %select_n3A_679 = arith.select %eq3A_676, %get3A_32, %get3A_37 : vector<16xi1>, vector<16xf32>
    %select_n3A_680 = arith.select %eq3A_673, %get3A_27, %select_n3A_679 : vector<16xi1>, vector<16xf32>
    %eq3A_681 = arith.constant 0 : i32
    %eq3A_682 = vector.broadcast %eq3A_681 : i32 to vector<16xi32>
    %eq3A_683 = arith.cmpi eq, %get3A_667, %eq3A_682 : vector<16xi32>
    %select_n3A_684 = arith.select %eq3A_683, %select_n3A_678, %select_n3A_680 : vector<16xi1>, vector<16xf32>
    %swap3A_685 = arith.constant 416 : index
    %swap3A_686 = tpu.vector_load %arg9[%swap3A_685] {strides = array<i32>} : memref<512xf32, #tpu.memory_space<vmem>>, vector<16xf32>,
    %swap3A_687 = vector.shape_cast %swap3A_686 : vector<16xf32> to vector<16xf32>
    %swap3A_688 = vector.shape_cast %select_n3A_684 : vector<16xf32> to vector<16xf32>
    tpu.vector_store %arg9[%swap3A_685], %swap3A_688 {strides = array<i32>} : memref<512xf32, #tpu.memory_space<vmem>>, vector<16xf32>,
    %get3A_689 = arith.constant 432 : index
    %get3A_690 = tpu.vector_load %arg7[%get3A_689] {strides = array<i32>} : memref<512xi32, #tpu.memory_space<vmem>>, vector<16xi32>,
    %get3A_691 = vector.shape_cast %get3A_690 : vector<16xi32> to vector<16xi32>
    %get3A_692 = arith.constant 432 : index
    %get3A_693 = tpu.vector_load %arg8[%get3A_692] {strides = array<i32>} : memref<512xi32, #tpu.memory_space<vmem>>, vector<16xi32>,
    %get3A_694 = vector.shape_cast %get3A_693 : vector<16xi32> to vector<16xi32>
    %eq3A_695 = arith.constant 0 : i32
    %eq3A_696 = vector.broadcast %eq3A_695 : i32 to vector<16xi32>
    %eq3A_697 = arith.cmpi eq, %get3A_694, %eq3A_696 : vector<16xi32>
    %eq3A_698 = arith.constant 1 : i32
    %eq3A_699 = vector.broadcast %eq3A_698 : i32 to vector<16xi32>
    %eq3A_700 = arith.cmpi eq, %get3A_694, %eq3A_699 : vector<16xi32>
    %select_n3A_701 = arith.select %eq3A_700, %get3A_17, %get3A_22 : vector<16xi1>, vector<16xf32>
    %select_n3A_702 = arith.select %eq3A_697, %get3A_12, %select_n3A_701 : vector<16xi1>, vector<16xf32>
    %select_n3A_703 = arith.select %eq3A_700, %get3A_32, %get3A_37 : vector<16xi1>, vector<16xf32>
    %select_n3A_704 = arith.select %eq3A_697, %get3A_27, %select_n3A_703 : vector<16xi1>, vector<16xf32>
    %eq3A_705 = arith.constant 0 : i32
    %eq3A_706 = vector.broadcast %eq3A_705 : i32 to vector<16xi32>
    %eq3A_707 = arith.cmpi eq, %get3A_691, %eq3A_706 : vector<16xi32>
    %select_n3A_708 = arith.select %eq3A_707, %select_n3A_702, %select_n3A_704 : vector<16xi1>, vector<16xf32>
    %swap3A_709 = arith.constant 432 : index
    %swap3A_710 = tpu.vector_load %arg9[%swap3A_709] {strides = array<i32>} : memref<512xf32, #tpu.memory_space<vmem>>, vector<16xf32>,
    %swap3A_711 = vector.shape_cast %swap3A_710 : vector<16xf32> to vector<16xf32>
    %swap3A_712 = vector.shape_cast %select_n3A_708 : vector<16xf32> to vector<16xf32>
    tpu.vector_store %arg9[%swap3A_709], %swap3A_712 {strides = array<i32>} : memref<512xf32, #tpu.memory_space<vmem>>, vector<16xf32>,
    %get3A_713 = arith.constant 448 : index
    %get3A_714 = tpu.vector_load %arg7[%get3A_713] {strides = array<i32>} : memref<512xi32, #tpu.memory_space<vmem>>, vector<16xi32>,
    %get3A_715 = vector.shape_cast %get3A_714 : vector<16xi32> to vector<16xi32>
    %get3A_716 = arith.constant 448 : index
    %get3A_717 = tpu.vector_load %arg8[%get3A_716] {strides = array<i32>} : memref<512xi32, #tpu.memory_space<vmem>>, vector<16xi32>,
    %get3A_718 = vector.shape_cast %get3A_717 : vector<16xi32> to vector<16xi32>
    %eq3A_719 = arith.constant 0 : i32
    %eq3A_720 = vector.broadcast %eq3A_719 : i32 to vector<16xi32>
    %eq3A_721 = arith.cmpi eq, %get3A_718, %eq3A_720 : vector<16xi32>
    %eq3A_722 = arith.constant 1 : i32
    %eq3A_723 = vector.broadcast %eq3A_722 : i32 to vector<16xi32>
    %eq3A_724 = arith.cmpi eq, %get3A_718, %eq3A_723 : vector<16xi32>
    %select_n3A_725 = arith.select %eq3A_724, %get3A_17, %get3A_22 : vector<16xi1>, vector<16xf32>
    %select_n3A_726 = arith.select %eq3A_721, %get3A_12, %select_n3A_725 : vector<16xi1>, vector<16xf32>
    %select_n3A_727 = arith.select %eq3A_724, %get3A_32, %get3A_37 : vector<16xi1>, vector<16xf32>
    %select_n3A_728 = arith.select %eq3A_721, %get3A_27, %select_n3A_727 : vector<16xi1>, vector<16xf32>
    %eq3A_729 = arith.constant 0 : i32
    %eq3A_730 = vector.broadcast %eq3A_729 : i32 to vector<16xi32>
    %eq3A_731 = arith.cmpi eq, %get3A_715, %eq3A_730 : vector<16xi32>
    %select_n3A_732 = arith.select %eq3A_731, %select_n3A_726, %select_n3A_728 : vector<16xi1>, vector<16xf32>
    %swap3A_733 = arith.constant 448 : index
    %swap3A_734 = tpu.vector_load %arg9[%swap3A_733] {strides = array<i32>} : memref<512xf32, #tpu.memory_space<vmem>>, vector<16xf32>,
    %swap3A_735 = vector.shape_cast %swap3A_734 : vector<16xf32> to vector<16xf32>
    %swap3A_736 = vector.shape_cast %select_n3A_732 : vector<16xf32> to vector<16xf32>
    tpu.vector_store %arg9[%swap3A_733], %swap3A_736 {strides = array<i32>} : memref<512xf32, #tpu.memory_space<vmem>>, vector<16xf32>,
    %get3A_737 = arith.constant 464 : index
    %get3A_738 = tpu.vector_load %arg7[%get3A_737] {strides = array<i32>} : memref<512xi32, #tpu.memory_space<vmem>>, vector<16xi32>,
    %get3A_739 = vector.shape_cast %get3A_738 : vector<16xi32> to vector<16xi32>
    %get3A_740 = arith.constant 464 : index
    %get3A_741 = tpu.vector_load %arg8[%get3A_740] {strides = array<i32>} : memref<512xi32, #tpu.memory_space<vmem>>, vector<16xi32>,
    %get3A_742 = vector.shape_cast %get3A_741 : vector<16xi32> to vector<16xi32>
    %eq3A_743 = arith.constant 0 : i32
    %eq3A_744 = vector.broadcast %eq3A_743 : i32 to vector<16xi32>
    %eq3A_745 = arith.cmpi eq, %get3A_742, %eq3A_744 : vector<16xi32>
    %eq3A_746 = arith.constant 1 : i32
    %eq3A_747 = vector.broadcast %eq3A_746 : i32 to vector<16xi32>
    %eq3A_748 = arith.cmpi eq, %get3A_742, %eq3A_747 : vector<16xi32>
    %select_n3A_749 = arith.select %eq3A_748, %get3A_17, %get3A_22 : vector<16xi1>, vector<16xf32>
    %select_n3A_750 = arith.select %eq3A_745, %get3A_12, %select_n3A_749 : vector<16xi1>, vector<16xf32>
    %select_n3A_751 = arith.select %eq3A_748, %get3A_32, %get3A_37 : vector<16xi1>, vector<16xf32>
    %select_n3A_752 = arith.select %eq3A_745, %get3A_27, %select_n3A_751 : vector<16xi1>, vector<16xf32>
    %eq3A_753 = arith.constant 0 : i32
    %eq3A_754 = vector.broadcast %eq3A_753 : i32 to vector<16xi32>
    %eq3A_755 = arith.cmpi eq, %get3A_739, %eq3A_754 : vector<16xi32>
    %select_n3A_756 = arith.select %eq3A_755, %select_n3A_750, %select_n3A_752 : vector<16xi1>, vector<16xf32>
    %swap3A_757 = arith.constant 464 : index
    %swap3A_758 = tpu.vector_load %arg9[%swap3A_757] {strides = array<i32>} : memref<512xf32, #tpu.memory_space<vmem>>, vector<16xf32>,
    %swap3A_759 = vector.shape_cast %swap3A_758 : vector<16xf32> to vector<16xf32>
    %swap3A_760 = vector.shape_cast %select_n3A_756 : vector<16xf32> to vector<16xf32>
    tpu.vector_store %arg9[%swap3A_757], %swap3A_760 {strides = array<i32>} : memref<512xf32, #tpu.memory_space<vmem>>, vector<16xf32>,
    %get3A_761 = arith.constant 480 : index
    %get3A_762 = tpu.vector_load %arg7[%get3A_761] {strides = array<i32>} : memref<512xi32, #tpu.memory_space<vmem>>, vector<16xi32>,
    %get3A_763 = vector.shape_cast %get3A_762 : vector<16xi32> to vector<16xi32>
    %get3A_764 = arith.constant 480 : index
    %get3A_765 = tpu.vector_load %arg8[%get3A_764] {strides = array<i32>} : memref<512xi32, #tpu.memory_space<vmem>>, vector<16xi32>,
    %get3A_766 = vector.shape_cast %get3A_765 : vector<16xi32> to vector<16xi32>
    %eq3A_767 = arith.constant 0 : i32
    %eq3A_768 = vector.broadcast %eq3A_767 : i32 to vector<16xi32>
    %eq3A_769 = arith.cmpi eq, %get3A_766, %eq3A_768 : vector<16xi32>
    %eq3A_770 = arith.constant 1 : i32
    %eq3A_771 = vector.broadcast %eq3A_770 : i32 to vector<16xi32>
    %eq3A_772 = arith.cmpi eq, %get3A_766, %eq3A_771 : vector<16xi32>
    %select_n3A_773 = arith.select %eq3A_772, %get3A_17, %get3A_22 : vector<16xi1>, vector<16xf32>
    %select_n3A_774 = arith.select %eq3A_769, %get3A_12, %select_n3A_773 : vector<16xi1>, vector<16xf32>
    %select_n3A_775 = arith.select %eq3A_772, %get3A_32, %get3A_37 : vector<16xi1>, vector<16xf32>
    %select_n3A_776 = arith.select %eq3A_769, %get3A_27, %select_n3A_775 : vector<16xi1>, vector<16xf32>
    %eq3A_777 = arith.constant 0 : i32
    %eq3A_778 = vector.broadcast %eq3A_777 : i32 to vector<16xi32>
    %eq3A_779 = arith.cmpi eq, %get3A_763, %eq3A_778 : vector<16xi32>
    %select_n3A_780 = arith.select %eq3A_779, %select_n3A_774, %select_n3A_776 : vector<16xi1>, vector<16xf32>
    %swap3A_781 = arith.constant 480 : index
    %swap3A_782 = tpu.vector_load %arg9[%swap3A_781] {strides = array<i32>} : memref<512xf32, #tpu.memory_space<vmem>>, vector<16xf32>,
    %swap3A_783 = vector.shape_cast %swap3A_782 : vector<16xf32> to vector<16xf32>
    %swap3A_784 = vector.shape_cast %select_n3A_780 : vector<16xf32> to vector<16xf32>
    tpu.vector_store %arg9[%swap3A_781], %swap3A_784 {strides = array<i32>} : memref<512xf32, #tpu.memory_space<vmem>>, vector<16xf32>,
    %get3A_785 = arith.constant 496 : index
    %get3A_786 = tpu.vector_load %arg7[%get3A_785] {strides = array<i32>} : memref<512xi32, #tpu.memory_space<vmem>>, vector<16xi32>,
    %get3A_787 = vector.shape_cast %get3A_786 : vector<16xi32> to vector<16xi32>
    %get3A_788 = arith.constant 496 : index
    %get3A_789 = tpu.vector_load %arg8[%get3A_788] {strides = array<i32>} : memref<512xi32, #tpu.memory_space<vmem>>, vector<16xi32>,
    %get3A_790 = vector.shape_cast %get3A_789 : vector<16xi32> to vector<16xi32>
    %eq3A_791 = arith.constant 0 : i32
    %eq3A_792 = vector.broadcast %eq3A_791 : i32 to vector<16xi32>
    %eq3A_793 = arith.cmpi eq, %get3A_790, %eq3A_792 : vector<16xi32>
    %eq3A_794 = arith.constant 1 : i32
    %eq3A_795 = vector.broadcast %eq3A_794 : i32 to vector<16xi32>
    %eq3A_796 = arith.cmpi eq, %get3A_790, %eq3A_795 : vector<16xi32>
    %select_n3A_797 = arith.select %eq3A_796, %get3A_17, %get3A_22 : vector<16xi1>, vector<16xf32>
    %select_n3A_798 = arith.select %eq3A_793, %get3A_12, %select_n3A_797 : vector<16xi1>, vector<16xf32>
    %select_n3A_799 = arith.select %eq3A_796, %get3A_32, %get3A_37 : vector<16xi1>, vector<16xf32>
    %select_n3A_800 = arith.select %eq3A_793, %get3A_27, %select_n3A_799 : vector<16xi1>, vector<16xf32>
    %eq3A_801 = arith.constant 0 : i32
    %eq3A_802 = vector.broadcast %eq3A_801 : i32 to vector<16xi32>
    %eq3A_803 = arith.cmpi eq, %get3A_787, %eq3A_802 : vector<16xi32>
    %select_n3A_804 = arith.select %eq3A_803, %select_n3A_798, %select_n3A_800 : vector<16xi1>, vector<16xf32>
    %swap3A_805 = arith.constant 496 : index
    %swap3A_806 = tpu.vector_load %arg9[%swap3A_805] {strides = array<i32>} : memref<512xf32, #tpu.memory_space<vmem>>, vector<16xf32>,
    %swap3A_807 = vector.shape_cast %swap3A_806 : vector<16xf32> to vector<16xf32>
    %swap3A_808 = vector.shape_cast %select_n3A_804 : vector<16xf32> to vector<16xf32>
    tpu.vector_store %arg9[%swap3A_805], %swap3A_808 {strides = array<i32>} : memref<512xf32, #tpu.memory_space<vmem>>, vector<16xf32>,
    %add3A_809 = arith.constant 256 : i32
    %add3A_810 = arith.addi %mul3A_2, %add3A_809 : i32
    %dma_start3A_811 = arith.constant 256 : i32
    %dma_start3A_812 = tpu.memref_slice %arg9[%dma_start3A_811] : memref<512xf32, #tpu.memory_space<vmem>> -> memref<256xf32, #tpu.memory_space<vmem>>
    %dma_start3A_813 = tpu.memref_slice %arg5[%add3A_810] : memref<16384xf32, #tpu.memory_space<hbm>> -> memref<256xf32, #tpu.memory_space<hbm>>
    %dma_start3A_814 = tpu.memref_slice %arg5[%add3A_810] : memref<16384xf32, #tpu.memory_space<hbm>> -> memref<256xf32, #tpu.memory_space<hbm>>
    %dma_start3A_815 = arith.constant 256 : i32
    %dma_start3A_816 = tpu.memref_slice %arg9[%dma_start3A_815] : memref<512xf32, #tpu.memory_space<vmem>> -> memref<256xf32, #tpu.memory_space<vmem>>
    tpu.enqueue_dma source(%dma_start3A_816 : memref<256xf32, #tpu.memory_space<vmem>>) target(%dma_start3A_814 : memref<256xf32, #tpu.memory_space<hbm>>) target_semaphore(%arg10 : memref<!tpu.dma_semaphore, #tpu.memory_space<semaphore_mem>>)
    %dma_wait3A_817 = arith.constant 0 : i32
    %dma_wait3A_818 = tpu.memref_slice %arg9[%dma_wait3A_817] : memref<512xf32, #tpu.memory_space<vmem>> -> memref<256xf32, #tpu.memory_space<vmem>>
    %dma_wait3A_819 = tpu.memref_slice %arg5[%mul3A_2] : memref<16384xf32, #tpu.memory_space<hbm>> -> memref<256xf32, #tpu.memory_space<hbm>>
    %dma_wait3A_820 = tpu.memref_slice %arg5[%mul3A_2] : memref<16384xf32, #tpu.memory_space<hbm>> -> memref<256xf32, #tpu.memory_space<hbm>>
    %dma_wait3A_821 = arith.constant 0 : i32
    %dma_wait3A_822 = tpu.memref_slice %arg9[%dma_wait3A_821] : memref<512xf32, #tpu.memory_space<vmem>> -> memref<256xf32, #tpu.memory_space<vmem>>
    tpu.wait_dma2 semaphore(%arg10 : memref<!tpu.dma_semaphore, #tpu.memory_space<semaphore_mem>>) src(%dma_wait3A_822 : memref<256xf32, #tpu.memory_space<vmem>>) dst(%dma_wait3A_820 : memref<256xf32, #tpu.memory_space<hbm>>)
    %dma_wait3A_823 = arith.constant 256 : i32
    %dma_wait3A_824 = tpu.memref_slice %arg9[%dma_wait3A_823] : memref<512xf32, #tpu.memory_space<vmem>> -> memref<256xf32, #tpu.memory_space<vmem>>
    %dma_wait3A_825 = tpu.memref_slice %arg5[%add3A_810] : memref<16384xf32, #tpu.memory_space<hbm>> -> memref<256xf32, #tpu.memory_space<hbm>>
    %dma_wait3A_826 = tpu.memref_slice %arg5[%add3A_810] : memref<16384xf32, #tpu.memory_space<hbm>> -> memref<256xf32, #tpu.memory_space<hbm>>
    %dma_wait3A_827 = arith.constant 256 : i32
    %dma_wait3A_828 = tpu.memref_slice %arg9[%dma_wait3A_827] : memref<512xf32, #tpu.memory_space<vmem>> -> memref<256xf32, #tpu.memory_space<vmem>>
    tpu.wait_dma2 semaphore(%arg10 : memref<!tpu.dma_semaphore, #tpu.memory_space<semaphore_mem>>) src(%dma_wait3A_828 : memref<256xf32, #tpu.memory_space<vmem>>) dst(%dma_wait3A_826 : memref<256xf32, #tpu.memory_space<hbm>>)
    return
  }
}

module attributes {stable_mosaic.version = 14 : i64} {
  func.func @_table_body(%arg0: memref<2x64xf32, #tpu.memory_space<vmem>>, %arg1: memref<3x32xf32, #tpu.memory_space<vmem>>, %arg2: memref<96x32xf32, #tpu.memory_space<vmem>>, %arg3: memref<1x32xf32, #tpu.memory_space<vmem>>, %arg4: memref<32x1xf32, #tpu.memory_space<vmem>>, %arg5: memref<1x1xf32, #tpu.memory_space<vmem>>, %arg6: memref<8x16xf32, #tpu.memory_space<vmem>>) attributes {dimension_semantics = [], scalar_prefetch = 0 : i64, scratch_operands = 0 : i64, tpu.core_type = #tpu.core_type<tc>} {
    %get3A = arith.constant 0 : index
    %get3A_0 = arith.constant 0 : index
    %get3A_1 = vector.load %arg0[%get3A, %get3A_0] : memref<2x64xf32, #tpu.memory_space<vmem>>, vector<2x64xf32>
    %broadcast_in_dim3A = vector.shape_cast %get3A_1 : vector<2x64xf32> to vector<2x1x64xf32>
    %broadcast_in_dim3A_2 = vector.broadcast %broadcast_in_dim3A : vector<2x1x64xf32> to vector<2x3x64xf32>
    %reshape3A = vector.shape_cast %broadcast_in_dim3A_2 : vector<2x3x64xf32> to vector<6x64xf32>
    %get3A_3 = arith.constant 0 : index
    %get3A_4 = arith.constant 0 : index
    %get3A_5 = vector.load %arg1[%get3A_3, %get3A_4] : memref<3x32xf32, #tpu.memory_space<vmem>>, vector<3x32xf32>
    %tile3A = tpu.concatenate %get3A_5, %get3A_5 in 0 : vector<3x32xf32>, vector<3x32xf32> -> vector<6x32xf32>
    %concatenate3A = tpu.concatenate %reshape3A, %tile3A in 1 : vector<6x64xf32>, vector<6x32xf32> -> vector<6x96xf32>
    %get3A_6 = arith.constant 0 : index
    %get3A_7 = arith.constant 0 : index
    %get3A_8 = vector.load %arg2[%get3A_6, %get3A_7] : memref<96x32xf32, #tpu.memory_space<vmem>>, vector<96x32xf32>
    %dot_general3A = arith.constant dense<0.000000e+00> : vector<6x32xf32>
    %dot_general3A_9 = tpu.matmul %concatenate3A, %get3A_8, %dot_general3A {dimension_numbers = #tpu.dot_dimension_numbers<[1], [0], [0], [1], [0, 0, 1, 1], [], []>, transpose_lhs_hint = false} : vector<6x96xf32>, vector<96x32xf32>, vector<6x32xf32> -> vector<6x32xf32>
    %get3A_10 = arith.constant 0 : index
    %get3A_11 = arith.constant 0 : index
    %get3A_12 = vector.load %arg3[%get3A_10, %get3A_11] : memref<1x32xf32, #tpu.memory_space<vmem>>, vector<1x32xf32>
    %add3A = vector.broadcast %get3A_12 : vector<1x32xf32> to vector<6x32xf32>
    %add3A_13 = arith.addf %dot_general3A_9, %add3A : vector<6x32xf32>
    %max3A = arith.constant 0.000000e+00 : f32
    %max3A_14 = vector.broadcast %max3A : f32 to vector<6x32xf32>
    %max3A_15 = arith.maximumf %add3A_13, %max3A_14 : vector<6x32xf32>
    %get3A_16 = arith.constant 0 : index
    %get3A_17 = arith.constant 0 : index
    %get3A_18 = vector.load %arg4[%get3A_16, %get3A_17] : memref<32x1xf32, #tpu.memory_space<vmem>>, vector<32x1xf32>
    %dot_general3A_19 = arith.constant dense<0.000000e+00> : vector<6x1xf32>
    %dot_general3A_20 = tpu.matmul %max3A_15, %get3A_18, %dot_general3A_19 {dimension_numbers = #tpu.dot_dimension_numbers<[1], [0], [0], [1], [0, 0, 1, 1], [], []>, transpose_lhs_hint = false} : vector<6x32xf32>, vector<32x1xf32>, vector<6x1xf32> -> vector<6x1xf32>
    %get3A_21 = arith.constant 0 : index
    %get3A_22 = arith.constant 0 : index
    %get3A_23 = vector.load %arg5[%get3A_21, %get3A_22] : memref<1x1xf32, #tpu.memory_space<vmem>>, vector<1x1xf32>
    %add3A_24 = vector.broadcast %get3A_23 : vector<1x1xf32> to vector<6x1xf32>
    %add3A_25 = arith.addf %dot_general3A_20, %add3A_24 : vector<6x1xf32>
    %max3A_26 = arith.constant 0.000000e+00 : f32
    %max3A_27 = vector.broadcast %max3A_26 : f32 to vector<6x1xf32>
    %max3A_28 = arith.maximumf %add3A_25, %max3A_27 : vector<6x1xf32>
    %broadcast_in_dim3A_29 = vector.shape_cast %max3A_28 : vector<6x1xf32> to vector<6x1xf32>
    %broadcast_in_dim3A_30 = vector.broadcast %broadcast_in_dim3A_29 : vector<6x1xf32> to vector<6x16xf32>
    %broadcast_in_dim3A_31 = arith.constant 0.000000e+00 : f32
    %broadcast_in_dim3A_32 = vector.broadcast %broadcast_in_dim3A_31 : f32 to vector<2x16xf32>
    %concatenate3A_33 = tpu.concatenate %broadcast_in_dim3A_30, %broadcast_in_dim3A_32 in 0 : vector<6x16xf32>, vector<2x16xf32> -> vector<8x16xf32>
    %swap3A = arith.constant 0 : index
    %swap3A_34 = arith.constant 0 : index
    %swap3A_35 = vector.load %arg6[%swap3A, %swap3A_34] : memref<8x16xf32, #tpu.memory_space<vmem>>, vector<8x16xf32>
    tpu.vector_store %arg6[%swap3A, %swap3A_34], %concatenate3A_33 {strides = array<i32>} : memref<8x16xf32, #tpu.memory_space<vmem>>, vector<8x16xf32>,
    return
  }
}

</mosaic_0001>

<sc_bundles>
// kernel: kernel.4.cloned.1.call-start
scs
__scs_entry_jumppad:
0x0: {  	(pc) =	sbr.rel $0x88, $3  }
0x1: {  	(tag) =	ssettag $0x0;
	lr =	simm.s32 $0x1  }
0x2: {  	[smem:$0x3F99] =	sst lr;
	_ =	strace $0xD0000000  }
0x3: {  	_ = 	snop  }
0x4: {  	_ = 	snop  }
0x5: {  	_ = 	snop  }
0x6: {  	_ = 	snop  }
0x7: {  	_ = 	snop  }
__scs_overlays_trampoline_lowered:
0x8: {  	[smem:$0x3FA8] =	sst s0  }
0x9: {  	[smem:$0x3FA9] =	sst s1  }
0xa: {  	[smem:$0x3FAA] =	sst s2  }
0xb: {  	[smem:$0x3FAB] =	sst s3  }
0xc: {  	[smem:$0x3FAC] =	sst s4  }
0xd: {  	[smem:$0x3FAD] =	sst s5  }
0xe: {  	[smem:$0x3FAE] =	sst s6  }
0xf: {  	[smem:$0x3FAF] =	sst s7  }
0x10: {  	[smem:$0x3FB0] =	sst s8  }
0x11: {  	[smem:$0x3FB1] =	sst s9;
	s0 =	simm.s32 @!p0 $0x0  }
0x12: {  	s1 =	sld [smem:$0x3F97];
	s0 =	simm.s32 @p0 $0x1  }
0x13: {  	[smem:$0x3FB2] =	sst s0;
	s0 =	simm.s32 @!p1 $0x0  }
0x14: {  	s2 =	sld [smem:$0x3F96];
	s0 =	simm.s32 @p1 $0x1  }
0x15: {  	[smem:$0x3FB3] =	sst s0;
	s0 =	simm.s32 @!p2 $0x0  }
0x16: {  	s3 =	sld [smem:$0x3FDB];
	s0 =	simm.s32 @p2 $0x1  }
0x17: {  	s4 =	simm.s32 $0x1BF5;
	[smem:$0x3FB5] =	sst s0  }
0x18: {  	s0 =	sld [smem:$0x3F98];
	_ =	swait.ge [sflag:s4], $0x0  }
0x19: {  	s7 =	sld [smem:$0x3F99]  }
0x1a: {  	s8 =	sadd.s32 $0xFFFFE003, lr  }
0x1b: {  	s9 =	sadd.s32 $0xFFFFFEF7, lr;
	s5 =	simm.s32 $0xFFFFFFFF;
	p2 =	slt.u32 s8, $0xFFFFF086  }
0x1c: {  	p1 =	slt.u32 s9, $0xF7A;
	s5 =	simm.s32 @!p2 $0x0  }
0x1d: {  	s5 =	simm.s32 @p1 $0x1;
	p0 =	seq.s32 s7, s2  }
0x1e: {  	s7 =	smul.u32 @!p0 $0xF7A, s2;
	p2 =	seq.s32 @!p0 s5, $0x0  }
0x1f: {  	s9 =	smul.u32 $0xF7A, s1;
	s8 =	simm.s32 @!p0 $0x1BF5;
	p2 =	por !p2, p0  }
0x20: {  	[sflag:s8] =	ssyncset.s32 @!p0 $0xFFFFF086;
	s6 =	sadd.s32 @!p0 s3, s7;
	s7 =	simm.s32 @!p0 $0x108  }
0x21: {  	s3 =	sadd.s32 s3, s9;
	s6 =	sadd.s32 @!p0 $0x88, s6;
	s7 =	simm.s32 @p2 $0x1082  }
0x22: {  	[simem:s7], [sflag:s8] =	dma.local @!p0 [hbm:s6], $0xF7A  }
0x23: {  	s9 =	sor.u32 $0xD0000000, s2;
	s6 =	simm.s32 $0x108;
	_ =	swait.ge @!p0 [sflag:s8], $0x0  }
0x24: {  	s3 =	sadd.s32 $0x88, s3;
	s6 =	simm.s32 @!p1 $0x1082;
	[sflag:s4] =	ssyncset.s32 $0xFFFFF086  }
0x25: {  	[simem:s6], [sflag:s4] =	dma.local [hbm:s3], $0xF7A  }
0x26: {  	[smem:$0x3F99] =	sst s1;
	(tag) =	ssettag s2;
	_ =	strace s9  }
0x27: {  	s1 =	sld [smem:$0x3FA9]  }
0x28: {  	s2 =	sld [smem:$0x3FAA]  }
0x29: {  	s4 =	sld [smem:$0x3FAC]  }
0x2a: {  	p0 =	seq.s32 s5, $0x0;
	s5 =	sld [smem:$0x3FAD]  }
0x2b: {  	s6 =	sld [smem:$0x3FAE]  }
0x2c: {  	s7 =	sld [smem:$0x3FAF]  }
0x2d: {  	s3 =	simm.s32 $0x108;
	s8 =	sld [smem:$0x3FB0]  }
0x2e: {  	s3 =	simm.s32 @!p0 $0x1082;
	s9 =	sld [smem:$0x3FB1]  }
0x2f: {  	lr =	sadd.s32 s0, s3;
	s0 =	sld [smem:$0x3FA8]  }
0x30: {  	s3 =	sld [smem:$0x3FAB]  }
0x31: {  	[smem:$0x3FB4] =	sst s10  }
0x32: {  	s10 =	sld [smem:$0x3FB2];
	_ =	sdelay $0x3  }
0x33: {  	p0 =	seq.s32 s10, $0x1;
	s10 =	sld [smem:$0x3FB4];
	_ =	sdelay $0x3  }
0x34: {  	[smem:$0x3FB4] =	sst s10  }
0x35: {  	s10 =	sld [smem:$0x3FB3];
	_ =	sdelay $0x3  }
0x36: {  	p1 =	seq.s32 s10, $0x1;
	s10 =	sld [smem:$0x3FB4];
	_ =	sdelay $0x3  }
0x37: {  	[smem:$0x3FB4] =	sst s10  }
0x38: {  	s10 =	sld [smem:$0x3FB5]  }
0x39: {  	_ = 	snop;
	(pc) =	sbr.ind lr, $3  }
0x3a: {  	_ = 	snop  }
0x3b: {  	_ = 	snop  }
0x3c: {  	p2 =	seq.s32 s10, $0x1;
	s10 =	sld [smem:$0x3FB4]  }
0x3d: {  	_ =	shalt  }
0x3e: {  	_ =	shalt  }
0x3f: {  	_ =	shalt  }
0x40: {  	_ =	shalt  }
0x41: {  	_ =	shalt  }
0x42: {  	_ =	shalt  }
0x43: {  	_ =	shalt  }
0x44: {  	_ =	shalt  }
0x45: {  	_ =	shalt  }
0x46: {  	_ =	shalt  }
0x47: {  	_ =	shalt  }
0x48: {  	_ =	shalt  }
0x49: {  	_ =	shalt  }
0x4a: {  	_ =	shalt  }
0x4b: {  	_ =	shalt  }
0x4c: {  	_ =	shalt  }
0x4d: {  	_ =	shalt  }
0x4e: {  	_ =	shalt  }
0x4f: {  	_ =	shalt  }
0x50: {  	_ =	shalt  }
0x51: {  	_ =	shalt  }
0x52: {  	_ =	shalt  }
0x53: {  	_ =	shalt  }
0x54: {  	_ =	shalt  }
0x55: {  	_ =	shalt  }
0x56: {  	_ =	shalt  }
0x57: {  	_ =	shalt  }
0x58: {  	_ =	shalt  }
0x59: {  	_ =	shalt  }
0x5a: {  	_ =	shalt  }
0x5b: {  	_ =	shalt  }
0x5c: {  	_ =	shalt  }
0x5d: {  	_ =	shalt  }
0x5e: {  	_ =	shalt  }
0x5f: {  	_ =	shalt  }
0x60: {  	_ =	shalt  }
0x61: {  	_ =	shalt  }
0x62: {  	_ =	shalt  }
0x63: {  	_ =	shalt  }
0x64: {  	_ =	shalt  }
0x65: {  	_ =	shalt  }
0x66: {  	_ =	shalt  }
0x67: {  	_ =	shalt  }
0x68: {  	_ =	shalt  }
0x69: {  	_ =	shalt  }
0x6a: {  	_ =	shalt  }
0x6b: {  	_ =	shalt  }
0x6c: {  	_ =	shalt  }
0x6d: {  	_ =	shalt  }
0x6e: {  	_ =	shalt  }
0x6f: {  	_ =	shalt  }
0x70: {  	_ =	shalt  }
0x71: {  	_ =	shalt  }
0x72: {  	_ =	shalt  }
0x73: {  	_ =	shalt  }
0x74: {  	_ =	shalt  }
0x75: {  	_ =	shalt  }
0x76: {  	_ =	shalt  }
0x77: {  	_ =	shalt  }
0x78: {  	_ =	shalt  }
0x79: {  	_ =	shalt  }
0x7a: {  	_ =	shalt  }
0x7b: {  	_ =	shalt  }
0x7c: {  	_ =	shalt  }
0x7d: {  	_ =	shalt  }
0x7e: {  	_ =	shalt  }
0x7f: {  	_ =	shalt  }
0x80: {  	_ =	shalt  }
0x81: {  	_ =	shalt  }
0x82: {  	_ =	shalt  }
0x83: {  	_ =	shalt  }
0x84: {  	_ =	shalt  }
0x85: {  	_ =	shalt  }
0x86: {  	_ =	shalt  }
0x87: {  	_ =	shalt  }
.Lfunc_end0:
.L_simem_size_0:
called_computation_lowered:
.L_overlay_start_0:
0x88: {  	s2 =	sld [smem:$0x3FD9]  }
0x89: {  	s3 =	sld [smem:$0x3FFE];
	_ =	sdelay $0x1  }
0x8a: {  	s1 =	srdreg.scid  }
0x8b: {  	s0 =	sand.u32 $0x1, s1  }
0x8c: {  	s17 =	sshll.u32 s0, $0xA;
	s2 =	sadd.s32 s3, s2  }
0x8d: {  	s2 =	sadd.s32 s2, s17  }
0x8e: {  	[smem:$0x3FC0] =	sst s2  }
0x8f: {  	_ = 	snop  }
0x90: {  	s2 =	sld [smem:$0x3FC9]  }
0x91: {  	s18 =	sld [smem:$0x3FC8]  }
0x92: {  	s4 =	sld [smem:$0x3FD0];
	(tm) =	ssettm $0x1  }
0x93: {  	s5 =	sld [smem:$0x3FFB];
	_ =	sdelay $0x3  }
0x94: {  	_ =	strace s5  }
0x95: {  	s5 =	sld [smem:$0x3FFC];
	_ =	sdelay $0x3  }
0x96: {  	_ =	strace s5  }
0x97: {  	s5 =	sld [smem:$0x3FFD];
	_ =	sdelay $0x3  }
0x98: {  	_ =	strace s5  }
0x99: {  	_ =	strace $0x8FFFFFFF  }
0x9a: {  	s19 =	sld [smem:$0x3FDB];
	_ =	sdelay $0x1  }
0x9b: {  	s6 =	simm.s32 $_scs_section_size  }
0x9c: {  	s7 =	simm.s32 $_size__tile_overlayer_lowered;
	s8 =	simm.s32 $_tile_overlayer_lowered  }
0x9d: {  	s22 =	simm.s32 $0x1BFF;
	s21 =	sshll.u32 s8, $0x1;
	s5 =	sadd.s32 s6, s19  }
0x9e: {  	s9 =	simm.s32 $0x0;
	s20 =	sshll.u32 s7, $0x1;
	s7 =	sadd.s32 s21, s5  }
0x9f: {  	[timem:s9], [sflag:s22] =	dma.local [hbm:s7], s20  }
0xa0: {  	_ =	swait.ge [sflag:s22], s20  }
0xa1: {  	s6 =	ssub.s32 $0x0, s20;
	[sflag:s22] =	ssyncset.done $0x0  }
0xa2: {  	[sflag:s22] =	ssyncadd.s32 s6;
	_ =	sdelay $0x1  }
0xa3: {  	s23 =	simm.s32 $0x1B8B  }
0xa4: {  	_ =	swait.ge [sflag:s23], $0x1  }
0xa5: {  	[sflag:s23] =	ssyncset.done $0x0  }
0xa6: {  	s25 =	simm.s32 $0x1B8E;
	s24 =	sld [smem:$0x3FFE];
	[sflag:s23] =	ssyncadd.s32 $0xFFFFFFFF  }
0xa7: {  	s26 =	simm.s32 $execute0_lowered;
	[smem:$0x3FD2] =	sst s25  }
0xa8: {  	s7 =	sshll.u32 s26, $0x1;
	_ =	strace $0x80000046;
	[dreg:$0x1] =	wrdreg $0xFFFFFFFF  }
0xa9: {  	s28 =	simm.s32 $_size_execute0_lowered;
	s5 =	sadd.s32 s5, s7;
	[dreg:$0x0] =	wrdreg $0x0  }
0xaa: {  	s7 =	sshll.u32 s28, $0x1;
	[dreg:$0x2] =	wrdreg s5  }
0xab: {  	[dreg:$0x3] =	wrdreg s7  }
0xac: {  	[dreg:$0x4] =	wrdreg $0xC0  }
0xad: {  	_ =	task [dreg:s9], $0x5FFFF  }
0xae: {  	[dreg:$0x1] =	wrdreg $0xFFFFFFFF  }
0xaf: {  	[dreg:$0x0] =	wrdreg $0x60  }
0xb0: {  	[dreg:$0x2] =	wrdreg s24  }
0xb1: {  	[dreg:$0x3] =	wrdreg s2  }
0xb2: {  	[dreg:$0x4] =	wrdreg s18  }
0xb3: {  	[dreg:$0x5] =	wrdreg s4  }
0xb4: {  	[dreg:$0x6] =	wrdreg $0x9  }
0xb5: {  	_ =	task.clear_ibuf [dreg:s9], $0x7FFFF;
	_ =	strace $0x90000046  }
0xb6: {  	s29 =	simm.s32 $0x9;
	_ =	strace $0x80000048  }
0xb7: {  	_ =	swait.ge [sflag:s29], $0x1  }
0xb8: {  	[sflag:s29] =	ssyncadd.s32 $0xFFFFFFFF  }
0xb9: {  	_ =	strace $0x90000048  }
0xba: {  	_ =	sfence  }
0xbb: {  	s30 =	sld [smem:$0x0];
	_ =	sdelay $0x2  }
0xbc: {  	s31 =	sshll.u32 s1, $0xD;
	s1 =	sshrl.u32 s1, $0x2  }
0xbd: {  	s3 =	sand.u32 $0x4000, s31;
	s1 =	sadd.s32 s1, s30  }
0xbe: {  	s0 =	sor.u32 s3, s0;
	s1 =	sshll.u32 s1, $0x11  }
0xbf: {  	s0 =	sor.u32 s1, s0  }
0xc0: {  	s0 =	sadd.s32 $0x8F2B, s0  }
0xc1: {  	[sflag:s0] =	ssyncadd.remote.s32 $0x1  }
0xc2: {  	_ =	sfence.sel $0xFFFF  }
0xc3: {  	[dreg:$0x0] =	wrdreg $0xFFFFFFFF;
	(pc) =	sbr.abs _section_cstart, $3  }
0xc4: {  	[dreg:$0x1] =	wrdreg $0xFFFFFFFF  }
0xc5: {  	_ =	task.clear_ibuf [dreg:s9], $0x2FFFF;
	_ =	strace $0x9FFFFFFF  }
0xc6: {  	(tm) =	ssettm $0x7FFFFFFF  }
0xc7: {  	_ =	shalt  }
tec
execute0_lowered:
.L_overlay_start_1:
0x0: {  	(tag) =	ssettag $0x1  }
0x1: {  	s3 =	rddreg [dreg:$0x0]  }
0x2: {  	s5 =	rddreg [dreg:$0x1]  }
0x3: {  	s6 =	rddreg [dreg:$0x2]  }
0x4: {  	s4 =	rddreg [dreg:$0x3]  }
0x5: {  	s0 =	rddreg [dreg:$0x4];
	s2 =	simm.s32 $0x0;
	s7 =	srdreg.scid  }
0x6: {  	s1 =	stileid.u32;
	s11 =	simm.s32 $0x1;
	s12 =	simm.s32 $0x800  }
0x7: {  	s13 =	simm.s32 $0x900;
	[smem:$0x7FF] =	sst s2;
	s7 =	sand.u32 $0x1, s7  }
0x8: {  	s9 =	sshll.u32 s1, $0x7;
	s3 =	sadd.s32 $0xE00, s3;
	s8 =	ssub.s32 $0x2, s7  }
0x9: {  	s7 =	sshll.u32 s7, $0x6;
	_ =	strace $0x80000047;
	s10 =	sshrl.u32 s8, $0x1  }
0xa: {  	s7 =	sor.u32 s7, s9;
	s9 =	simm.s32 $0x400;
	s8 =	ssub.s32 s8, s10  }
0xb: {  	s4 =	sadd.s32 s4, s7;
	s5 =	sadd.s32 s5, s7;
	s6 =	sadd.s32 s6, s7  }
0xc: {  	s10 =	simm.s32 $0x600;
	s7 =	sadd.s32 $0x20, s4;
	s8 =	smax.u32 s8, $0x1  }
.LBB2_1:
0xd: {  	[tilespmem:s2], [sflag:$0x1] =	stream.linear.gather [hbm4b:s3+s2], $0x400, $0x38;
	[tilespmem:$0xA00] =	vst v63  }
0xe: {  	_ = 	snop  }
0xf: {  	[tilespmem:s9], [sflag:$0x1] =	stream.linear.gather [hbm4b:s5+s2], $0x200, $0x38;
	[tilespmem:$0xA00] =	vst v63  }
0x10: {  	_ = 	snop  }
0x11: {  	[tilespmem:s10], [sflag:$0x1] =	stream.linear.gather [hbm4b:s6+s2], $0x200, $0x38;
	[tilespmem:$0xA00] =	vst v63  }
0x12: {  	_ =	swait.ge [sflag:s11], $0x400  }
0x13: {  	[sflag:s11] =	ssyncset.done $0x0  }
0x14: {  	[sflag:s11] =	ssyncadd.s32 $0xFFFFFC00  }
0x15: {  	_ =	swait.ge [sflag:s11], $0x200  }
0x16: {  	[sflag:s11] =	ssyncset.done $0x0  }
0x17: {  	[sflag:s11] =	ssyncadd.s32 $0xFFFFFE00  }
0x18: {  	_ =	swait.ge [sflag:s11], $0x200  }
0x19: {  	[sflag:s11] =	ssyncset.done $0x0  }
0x1a: {  	[sflag:s11] =	ssyncadd.s32 $0xFFFFFE00  }
0x1b: {  	v0 =	vld [tilespmem:$0x0]  }
0x1c: {  	v2 =	vld [tilespmem:$0x80]  }
0x1d: {  	v3 =	vld [tilespmem:$0x100]  }
0x1e: {  	v1 =	vld [tilespmem:$0x180]  }
0x1f: {  	v4 =	vld [tilespmem:$0x200]  }
0x20: {  	v6 =	vld [tilespmem:$0x600]  }
0x21: {  	v7 =	vld [tilespmem:$0x610]  }
0x22: {  	v8 =	vld [tilespmem:$0x400]  }
0x23: {  	v9 =	vld [tilespmem:$0x410]  }
0x24: {  	v10 =	vld [tilespmem:$0x620]  }
0x25: {  	v12 =	vld [tilespmem:$0x420]  }
0x26: {  	v28 =	vld [tilespmem:$0x630]  }
0x27: {  	v30 =	vld [tilespmem:$0x640]  }
0x28: {  	v14 =	vld [tilespmem:$0x430]  }
0x29: {  	v32 =	vld [tilespmem:$0x440];
	vm0 =	veq.s32 v6, $0x1  }
0x2a: {  	v5 =	vld [tilespmem:$0x280];
	vm1 =	veq.s32 v6, $0x0;
	vm7 =	veq.s32 v7, $0x1;
	vm8 =	veq.s32 v8, $0x0  }
0x2b: {  	v33 =	vld [tilespmem:$0x650];
	vm2 =	veq.s32 v7, $0x0;
	vm9 =	veq.s32 v9, $0x0;
	vm10 =	veq.s32 v10, $0x1  }
0x2c: {  	v37 =	vld [tilespmem:$0x660];
	vm11 =	veq.s32 v10, $0x0;
	vm12 =	veq.s32 v12, $0x0;
	vm13 =	veq.s32 v28, $0x1  }
0x2d: {  	v17 =	vld [tilespmem:$0x460];
	vm14 =	veq.s32 v28, $0x0;
	vm15 =	veq.s32 v30, $0x1;
	vm4 =	veq.s32 v14, $0x0  }
0x2e: {  	v41 =	vld [tilespmem:$0x470];
	vm5 =	veq.s32 v30, $0x0;
	vm6 =	veq.s32 v32, $0x0;
	v26 =	vsel vm0, v2, v3  }
0x2f: {  	v11 =	vsel vm0, v4, v5;
	v27 =	vsel vm7, v2, v3;
	v29 =	vsel vm7, v4, v5  }
0x30: {  	v31 =	vsel vm10, v2, v3;
	v13 =	vsel vm10, v4, v5;
	v34 =	vsel vm13, v2, v3  }
0x31: {  	v46 =	vld [tilespmem:$0x690];
	v35 =	vsel vm13, v4, v5;
	v36 =	vsel vm15, v2, v3;
	v38 =	vsel vm15, v4, v5  }
0x32: {  	v20 =	vld [tilespmem:$0x490];
	vm7 =	veq.s32 v33, $0x1;
	vm10 =	veq.s32 v37, $0x1;
	vm13 =	veq.s32 v17, $0x0  }
0x33: {  	vm15 =	veq.s32 v41, $0x0;
	v6 =	vsel vm1, v0, v26;
	v11 =	vsel vm1, v1, v11  }
0x34: {  	v7 =	vsel vm2, v0, v27;
	v10 =	vsel vm11, v0, v31;
	v13 =	vsel vm11, v1, v13  }
0x35: {  	v39 =	vld [tilespmem:$0x670];
	v8 =	vsel vm14, v0, v34;
	v9 =	vsel vm5, v0, v36;
	v40 =	vsel vm7, v2, v3  }
0x36: {  	v61 =	vld [tilespmem:$0x4C0];
	v16 =	vsel vm7, v4, v5;
	vm11 =	veq.s32 v37, $0x0;
	v43 =	vsel vm10, v2, v3  }
0x37: {  	v44 =	vsel vm10, v4, v5;
	vm7 =	veq.s32 v46, $0x1;
	vm10 =	veq.s32 v20, $0x0  }
0x38: {  	v15 =	vld [tilespmem:$0x450];
	v6 =	vsel vm8, v6, v11;
	v11 =	vsel vm2, v1, v29;
	v10 =	vsel vm12, v10, v13  }
0x39: {  	v42 =	vld [tilespmem:$0x680];
	v13 =	vsel vm14, v1, v35;
	vm8 =	veq.s32 v33, $0x0;
	v14 =	vsel vm11, v0, v43  }
0x3a: {  	v50 =	vld [tilespmem:$0x4A0];
	vm12 =	veq.s32 v39, $0x1;
	vm14 =	veq.s32 v39, $0x0;
	v52 =	vsel vm7, v2, v3  }
0x3b: {  	v53 =	vsel vm7, v4, v5;
	vm7 =	veq.s32 v61, $0x0;
	v7 =	vsel vm9, v7, v11  }
0x3c: {  	v18 =	vld [tilespmem:$0x480];
	v8 =	vsel vm4, v8, v13;
	v13 =	vsel vm5, v1, v38;
	v11 =	vsel vm8, v0, v40  }
0x3d: {  	v48 =	vld [tilespmem:$0x6A0];
	v16 =	vsel vm8, v1, v16;
	vm9 =	veq.s32 v15, $0x0;
	v45 =	vsel vm12, v2, v3  }
0x3e: {  	v55 =	vld [tilespmem:$0x6C0];
	v47 =	vsel vm12, v4, v5;
	vm4 =	veq.s32 v42, $0x1;
	vm5 =	veq.s32 v42, $0x0  }
0x3f: {  	vm8 =	veq.s32 v46, $0x0;
	vm12 =	veq.s32 v50, $0x0;
	v9 =	vsel vm6, v9, v13  }
0x40: {  	v51 =	vld [tilespmem:$0x6B0];
	v11 =	vsel vm9, v11, v16;
	v16 =	vsel vm11, v1, v44;
	v12 =	vsel vm14, v0, v45  }
0x41: {  	v49 =	vsel vm4, v2, v3;
	v19 =	vsel vm4, v4, v5;
	vm6 =	veq.s32 v18, $0x0  }
0x42: {  	v63 =	vld [tilespmem:$0x4D0];
	v17 =	vsel vm8, v0, v52;
	vm9 =	veq.s32 v48, $0x1;
	vm11 =	veq.s32 v48, $0x0  }
0x43: {  	vm4 =	veq.s32 v55, $0x1;
	v14 =	vsel vm13, v14, v16;
	v16 =	vsel vm14, v1, v47  }
0x44: {  	v21 =	vld [tilespmem:$0x4B0];
	v13 =	vsel vm5, v0, v49;
	v19 =	vsel vm5, v1, v19;
	v54 =	vsel vm9, v2, v3  }
0x45: {  	v58 =	vld [tilespmem:$0x6D0];
	v56 =	vsel vm9, v4, v5;
	vm13 =	veq.s32 v51, $0x1;
	vm14 =	veq.s32 v51, $0x0  }
0x46: {  	v26 =	vld [tilespmem:$0x6F0];
	[tilespmem:$0x800] =	vst v6;
	vm5 =	veq.s32 v55, $0x0;
	v22 =	vsel vm4, v2, v3;
	v23 =	vsel vm4, v4, v5  }
0x47: {  	[tilespmem:$0x820] =	vst v10;
	vm9 =	veq.s32 v63, $0x0;
	v12 =	vsel vm15, v12, v16;
	v13 =	vsel vm6, v13, v19  }
0x48: {  	[tilespmem:$0x810] =	vst v7;
	v19 =	vsel vm8, v1, v53;
	v15 =	vsel vm11, v0, v54;
	v57 =	vsel vm11, v1, v56  }
0x49: {  	v24 =	vld [tilespmem:$0x4E0];
	[tilespmem:$0x830] =	vst v8;
	v59 =	vsel vm13, v2, v3;
	v60 =	vsel vm13, v4, v5;
	vm15 =	veq.s32 v21, $0x0  }
0x4a: {  	[tilespmem:$0x840] =	vst v9;
	v9 =	vsel vm5, v0, v22;
	v10 =	vsel vm5, v1, v23;
	vm6 =	veq.s32 v58, $0x1  }
0x4b: {  	v29 =	vld [tilespmem:$0x4F0];
	[tilespmem:$0x850] =	vst v11;
	vm8 =	veq.s32 v58, $0x0;
	vm13 =	veq.s32 v26, $0x1;
	v17 =	vsel vm10, v17, v19  }
0x4c: {  	v21 =	vld [tilespmem:$0x6E0];
	[tilespmem:$0x860] =	vst v14;
	v7 =	vsel vm14, v0, v59;
	v62 =	vsel vm14, v1, v60;
	v6 =	vsel vm12, v15, v57  }
0x4d: {  	v25 =	vsel vm6, v2, v3;
	[tilespmem:$0x870] =	vst v12;
	v9 =	vsel vm7, v9, v10;
	v28 =	vsel vm6, v4, v5  }
0x4e: {  	[tilespmem:$0x880] =	vst v13;
	vm12 =	veq.s32 v24, $0x0;
	vm14 =	veq.s32 v26, $0x0;
	v35 =	vsel vm13, v2, v3  }
0x4f: {  	v36 =	vsel vm13, v4, v5;
	v7 =	vsel vm15, v7, v62;
	v27 =	vsel vm8, v0, v25;
	[tilespmem:$0x890] =	vst v17  }
0x50: {  	v12 =	vsel vm8, v1, v28;
	[tilespmem:$0x8A0] =	vst v6;
	v37 =	vsel vm14, v0, v35;
	v38 =	vsel vm14, v1, v36  }
0x51: {  	[tilespmem:$0x8C0] =	vst v9;
	vm15 =	veq.s32 v29, $0x0;
	v34 =	vsel vm9, v27, v12;
	vm10 =	veq.s32 v21, $0x1  }
0x52: {  	[tilespmem:$0x8B0] =	vst v7;
	vm11 =	veq.s32 v21, $0x0;
	v30 =	vsel vm10, v2, v3;
	v31 =	vsel vm10, v4, v5  }
0x53: {  	v39 =	vsel vm15, v37, v38;
	[tilespmem:$0x8D0] =	vst v34;
	v32 =	vsel vm11, v0, v30;
	v33 =	vsel vm11, v1, v31  }
0x54: {  	[tilespmem:$0x8F0] =	vst v39;
	v6 =	vsel vm12, v32, v33  }
0x55: {  	[tilespmem:$0x8E0] =	vst v6  }
0x56: {  	[hbm4b:s4+s2] =	stream.linear.scatter [tilespmem:s12], [sflag:$0x1], $0x100, $0x38;
	[tilespmem:$0xA00] =	vst v63  }
0x57: {  	v40 =	vld [tilespmem:$0x700]  }
0x58: {  	v41 =	vld [tilespmem:$0x710]  }
0x59: {  	v42 =	vld [tilespmem:$0x500]  }
0x5a: {  	v43 =	vld [tilespmem:$0x510]  }
0x5b: {  	v44 =	vld [tilespmem:$0x720]  }
0x5c: {  	v47 =	vld [tilespmem:$0x520]  }
0x5d: {  	v49 =	vld [tilespmem:$0x730]  }
0x5e: {  	v51 =	vld [tilespmem:$0x740]  }
0x5f: {  	v54 =	vld [tilespmem:$0x530];
	vm4 =	veq.s32 v40, $0x1  }
0x60: {  	v55 =	vld [tilespmem:$0x540];
	vm5 =	veq.s32 v40, $0x0;
	vm6 =	veq.s32 v41, $0x1;
	vm7 =	veq.s32 v42, $0x0  }
0x61: {  	v61 =	vld [tilespmem:$0x760];
	vm8 =	veq.s32 v41, $0x0;
	vm9 =	veq.s32 v43, $0x0;
	vm10 =	veq.s32 v44, $0x1  }
0x62: {  	v22 =	vld [tilespmem:$0x560];
	vm11 =	veq.s32 v44, $0x0;
	vm12 =	veq.s32 v47, $0x0;
	vm13 =	veq.s32 v49, $0x1  }
0x63: {  	v23 =	vld [tilespmem:$0x570];
	vm14 =	veq.s32 v49, $0x0;
	vm15 =	veq.s32 v51, $0x1;
	v45 =	vsel vm4, v2, v3  }
0x64: {  	v46 =	vsel vm4, v4, v5;
	v48 =	vsel vm6, v2, v3;
	v50 =	vsel vm6, v4, v5  }
0x65: {  	v52 =	vsel vm10, v2, v3;
	v53 =	vsel vm10, v4, v5;
	v57 =	vsel vm13, v2, v3  }
0x66: {  	v58 =	vsel vm13, v4, v5;
	vm4 =	veq.s32 v54, $0x0;
	v60 =	vsel vm15, v2, v3  }
0x67: {  	v34 =	vld [tilespmem:$0x590];
	v62 =	vsel vm15, v4, v5;
	vm6 =	veq.s32 v55, $0x0;
	vm10 =	veq.s32 v61, $0x1  }
0x68: {  	vm13 =	veq.s32 v22, $0x0;
	vm15 =	veq.s32 v23, $0x0;
	v6 =	vsel vm5, v0, v45  }
0x69: {  	v56 =	vld [tilespmem:$0x750];
	v11 =	vsel vm5, v1, v46;
	v7 =	vsel vm8, v0, v48;
	v10 =	vsel vm11, v0, v52  }
0x6a: {  	v63 =	vld [tilespmem:$0x770];
	v13 =	vsel vm11, v1, v53;
	v8 =	vsel vm14, v0, v57;
	vm5 =	veq.s32 v51, $0x0  }
0x6b: {  	v59 =	vld [tilespmem:$0x550];
	vm11 =	veq.s32 v61, $0x0;
	v25 =	vsel vm10, v2, v3;
	v26 =	vsel vm10, v4, v5  }
0x6c: {  	v24 =	vld [tilespmem:$0x780];
	vm10 =	veq.s32 v34, $0x0;
	v6 =	vsel vm7, v6, v11;
	v11 =	vsel vm8, v1, v50  }
0x6d: {  	v29 =	vld [tilespmem:$0x790];
	v10 =	vsel vm12, v10, v13;
	v13 =	vsel vm14, v1, v58;
	v9 =	vsel vm5, v0, v60  }
0x6e: {  	v35 =	vld [tilespmem:$0x5A0];
	vm7 =	veq.s32 v56, $0x1;
	vm8 =	veq.s32 v56, $0x0;
	v14 =	vsel vm11, v0, v25  }
0x6f: {  	vm12 =	veq.s32 v63, $0x1;
	vm14 =	veq.s32 v63, $0x0;
	v7 =	vsel vm9, v7, v11  }
0x70: {  	v27 =	vld [tilespmem:$0x580];
	v8 =	vsel vm4, v8, v13;
	v13 =	vsel vm5, v1, v62;
	v20 =	vsel vm7, v2, v3  }
0x71: {  	v41 =	vld [tilespmem:$0x7C0];
	v21 =	vsel vm7, v4, v5;
	vm9 =	veq.s32 v59, $0x0;
	v28 =	vsel vm12, v2, v3  }
0x72: {  	v47 =	vld [tilespmem:$0x5C0];
	v30 =	vsel vm12, v4, v5;
	vm4 =	veq.s32 v24, $0x1;
	vm5 =	veq.s32 v24, $0x0  }
0x73: {  	vm7 =	veq.s32 v29, $0x1;
	vm12 =	veq.s32 v35, $0x0;
	v11 =	vsel vm8, v0, v20  }
0x74: {  	v31 =	vld [tilespmem:$0x7A0];
	v16 =	vsel vm8, v1, v21;
	v9 =	vsel vm6, v9, v13;
	v12 =	vsel vm14, v0, v28  }
0x75: {  	v32 =	vsel vm4, v2, v3;
	v33 =	vsel vm4, v4, v5;
	vm6 =	veq.s32 v27, $0x0  }
0x76: {  	vm8 =	veq.s32 v29, $0x0;
	v37 =	vsel vm7, v2, v3;
	v38 =	vsel vm7, v4, v5  }
0x77: {  	vm4 =	veq.s32 v41, $0x1;
	vm7 =	veq.s32 v47, $0x0;
	v11 =	vsel vm9, v11, v16  }
0x78: {  	v36 =	vld [tilespmem:$0x7B0];
	v16 =	vsel vm11, v1, v26;
	v13 =	vsel vm5, v0, v32;
	v19 =	vsel vm5, v1, v33  }
0x79: {  	v44 =	vld [tilespmem:$0x7D0];
	v17 =	vsel vm8, v0, v37;
	vm9 =	veq.s32 v31, $0x1;
	vm11 =	veq.s32 v31, $0x0  }
0x7a: {  	v49 =	vld [tilespmem:$0x5D0];
	vm5 =	veq.s32 v41, $0x0;
	v51 =	vsel vm4, v2, v3;
	v52 =	vsel vm4, v4, v5  }
0x7b: {  	v14 =	vsel vm13, v14, v16;
	v16 =	vsel vm14, v1, v30;
	v13 =	vsel vm6, v13, v19  }
0x7c: {  	v39 =	vld [tilespmem:$0x5B0];
	[tilespmem:$0x900] =	vst v6;
	v19 =	vsel vm8, v1, v38;
	v40 =	vsel vm9, v2, v3;
	v42 =	vsel vm9, v4, v5  }
0x7d: {  	v50 =	vld [tilespmem:$0x7E0];
	[tilespmem:$0x940] =	vst v9;
	vm13 =	veq.s32 v36, $0x1;
	vm14 =	veq.s32 v36, $0x0;
	v9 =	vsel vm5, v0, v51  }
0x7e: {  	v55 =	vld [tilespmem:$0x7F0];
	[tilespmem:$0x920] =	vst v10;
	v10 =	vsel vm5, v1, v52;
	vm6 =	veq.s32 v44, $0x1;
	vm8 =	veq.s32 v44, $0x0  }
0x7f: {  	[tilespmem:$0x910] =	vst v7;
	vm9 =	veq.s32 v49, $0x0;
	v12 =	vsel vm15, v12, v16;
	v17 =	vsel vm10, v17, v19  }
0x80: {  	[tilespmem:$0x930] =	vst v8;
	v15 =	vsel vm11, v0, v40;
	v43 =	vsel vm11, v1, v42;
	v45 =	vsel vm13, v2, v3  }
0x81: {  	v53 =	vld [tilespmem:$0x5E0];
	[tilespmem:$0x950] =	vst v11;
	v46 =	vsel vm13, v4, v5;
	vm15 =	veq.s32 v39, $0x0;
	v54 =	vsel vm6, v2, v3  }
0x82: {  	[tilespmem:$0x960] =	vst v14;
	v9 =	vsel vm7, v9, v10;
	v57 =	vsel vm6, v4, v5;
	vm10 =	veq.s32 v50, $0x1  }
0x83: {  	[tilespmem:$0x980] =	vst v13;
	vm11 =	veq.s32 v50, $0x0;
	vm13 =	veq.s32 v55, $0x1;
	v7 =	vsel vm14, v0, v45  }
0x84: {  	v58 =	vld [tilespmem:$0x5F0];
	v48 =	vsel vm14, v1, v46;
	v6 =	vsel vm12, v15, v43;
	[tilespmem:$0x970] =	vst v12;
	v56 =	vsel vm8, v0, v54  }
0x85: {  	v12 =	vsel vm8, v1, v57;
	[tilespmem:$0x990] =	vst v17;
	v59 =	vsel vm10, v2, v3;
	v60 =	vsel vm10, v4, v5  }
0x86: {  	vm12 =	veq.s32 v53, $0x0;
	[tilespmem:$0x9C0] =	vst v9;
	v2 =	vsel vm13, v2, v3;
	vm14 =	veq.s32 v55, $0x0  }
0x87: {  	v63 =	vsel vm13, v4, v5;
	v7 =	vsel vm15, v7, v48;
	[tilespmem:$0x9A0] =	vst v6;
	v61 =	vsel vm11, v0, v59  }
0x88: {  	v8 =	vsel vm11, v1, v60;
	v62 =	vsel vm9, v56, v12;
	v0 =	vsel vm14, v0, v2;
	[tilespmem:$0x9B0] =	vst v7  }
0x89: {  	v1 =	vsel vm14, v1, v63;
	vm15 =	veq.s32 v58, $0x0;
	v6 =	vsel vm12, v61, v8;
	[tilespmem:$0x9D0] =	vst v62  }
0x8a: {  	v0 =	vsel vm15, v0, v1;
	[tilespmem:$0x9E0] =	vst v6  }
0x8b: {  	[tilespmem:$0x9F0] =	vst v0  }
0x8c: {  	[hbm4b:s7+s2] =	stream.linear.scatter [tilespmem:s13], [sflag:$0x1], $0x100, $0x38;
	[tilespmem:$0xA00] =	vst v63  }
0x8d: {  	p0 =	sne.s32 s8, $0x1;
	_ =	swait.ge [sflag:s11], $0x100  }
.Ltmp0:
0x8e: {  	[sflag:s11] =	ssyncset.done $0x0;
	(pc) =	sbr.rel @p0 .LBB2_1-.Ltmp0, $4  }
0x8f: {  	[sflag:s11] =	ssyncadd.s32 $0xFFFFFF00  }
0x90: {  	_ =	swait.ge [sflag:s11], $0x100  }
0x91: {  	[sflag:s11] =	ssyncset.done $0x0  }
0x92: {  	s8 =	sadd.s32 $0xFFFFFFFF, s8;
	[sflag:s11] =	ssyncadd.s32 $0xFFFFFF00  }
0x93: {  	_ =	sfence.sel $0x180000  }
0x94: {  	[bflag:$0x0] =	sbarrier.arrive $0xFFFF  }
0x95: {  	p0 =	sne.s32 s1, $0x0;
	_ =	strace $0x90000047  }
0x96: {  	s0 =	sadd.s32 @!p0 $0x100000, s0;
	[bflag:$0x2] =	sbarrier.arrive $0xFFFF  }
0x97: {  	[sflag:s0] =	ssyncadd.tile.s32 @!p0 $0x1;
	_ =	shalt  }
.Lfunc_end2:
_tile_overlayer_lowered:
.L_overlay_start_2:
0x98: {  	(tag) =	ssettag $0x2  }
0x99: {  	s0 =	rddreg [dreg:$0x0];
	s2 =	stileid.u32  }
0x9a: {  	s1 =	rddreg [dreg:$0x1];
	p0 =	sne.s32 s2, $0x0  }
0x9b: {  	s3 =	rddreg [dreg:$0x2];
	[bflag:$0x3] =	sbarrier.arrive $0xFFFF;
	s2 =	simm.s32 @!p0 $0x1C02  }
0x9c: {  	[timem:s3], [sflag:s2] =	dma.local @!p0 [hbm:s0], s1  }
0x9d: {  	s0 =	simm.s32 @!p0 $0x2  }
0x9e: {  	_ =	swait.ge @!p0 [sflag:s0], s1  }
0x9f: {  	s1 =	ssub.s32 @!p0 $0x0, s1;
	[sflag:s0] =	ssyncset.done @!p0 $0x0  }
0xa0: {  	[sflag:s0] =	ssyncadd.s32 @!p0 s1  }
0xa1: {  	[bflag:$0x3] =	sbarrier.arrive $0xFFFF  }
0xa2: {  	_ =	shalt  }

</sc_bundles>
